<compile_context>
chip_gen: v7x
topology: tpu7x:2x2x1
jax: 0.10.2.dev20260603
libtpu: 0.0.44.dev20260713+nightly
codegen_flags: <defaults>
</compile_context>

<pallas_src>
import functools

import jax
import jax.numpy as jnp
import numpy as np
from jax import lax
from jax.experimental import pallas as pl
from jax.experimental.pallas import tpu as pltpu
from jax.experimental.pallas import tpu_sc as plsc

_CLASS_TOKENS = (11, 257, 1024, 4096, 9999, 20000, 50000, 99999)
_NUM_CLASSES = len(_CLASS_TOKENS)
_L = 16
_LN2 = float(np.log(2.0))
_NCORES = 1

_GATHER_DNUMS = lax.GatherDimensionNumbers(
    offset_dims=(), collapsed_slice_dims=(0,), start_index_map=(0,))


def _shuffle(v, perm):
    return lax.gather(v, perm[:, None], _GATHER_DNUMS, slice_sizes=(1,),
                      mode=lax.GatherScatterMode.PROMISE_IN_BOUNDS)


def _cross_entropy(picks, tgt_splat):
    m = picks[0]
    for p in picks[1:]:
        m = jnp.maximum(m, p)
    s = jnp.exp(picks[0] - m)
    for p in picks[1:]:
        s = s + jnp.exp(p - m)
    bits = lax.bitcast_convert_type(s, jnp.int32)
    e = ((bits >> 23) - 127).astype(jnp.float32)
    f = lax.bitcast_convert_type((bits & 0x007FFFFF) | 0x3F800000,
                                 jnp.float32)
    r = (f - 1.0) / (f + 1.0)
    r2 = r * r
    log_f = 2.0 * r * (1.0 + r2 * (1.0 / 3.0 + r2 * (
        1.0 / 5.0 + r2 * (1.0 / 9.0 * r2 + 1.0 / 7.0))))
    lse_v = m + e * _LN2 + log_f

    picked = picks[0]
    for j in range(1, _NUM_CLASSES):
        picked = jnp.where(tgt_splat == j, picks[j], picked)
    return lse_v - picked


@functools.lru_cache(maxsize=None)
def _build_sc_call(B, S, V):
    assert B == 2 * _L and V > max(_CLASS_TOKENS)
    bases = [t & ~(_L - 1) for t in _CLASS_TOKENS]
    lanes = [t & (_L - 1) for t in _CLASS_TOKENS]

    info = plsc.get_sparse_core_info()
    nw = _NCORES * info.num_subcores
    assert B % nw == 0
    bpw = B // nw
    mesh = plsc.VectorSubcoreMesh(core_axis_name="c", subcore_axis_name="s",
                                  num_cores=_NCORES)

    @functools.partial(
        pl.kernel,
        mesh=mesh,
        out_type=jax.ShapeDtypeStruct((B, _L), jnp.float32),
        scratch_types=(
            [pltpu.VMEM((_L,), jnp.float32)
             for _ in range(_NUM_CLASSES * bpw)]
            + [pltpu.VMEM((_L,), jnp.float32) for _ in range(2)]
            + [
                pltpu.VMEM((B,), jnp.int32),
                pltpu.SemaphoreType.DMA,
                pltpu.SemaphoreType.DMA,
                pltpu.SemaphoreType.DMA,
            ]
        ),
    )
    def sc_call(mo_hbm, tgt_hbm, out_hbm, *rest):
        bufs = rest[:_NUM_CLASSES * bpw]
        out_a, out_b, tgt_v, sem, sem2, sem3 = rest[_NUM_CLASSES * bpw:]
        outs = [out_a, out_b]
        wid = lax.axis_index("s") * _NCORES + lax.axis_index("c")

        copies = []
        for k in range(bpw):
            b = wid + k * nw
            for j in range(_NUM_CLASSES):
                copies.append(pltpu.async_copy(
                    mo_hbm.at[b, S - 1, pl.ds(bases[j], _L)],
                    bufs[k * _NUM_CLASSES + j], sem))
        tgt_copy = pltpu.async_copy(tgt_hbm, tgt_v, sem2)
        tgt_copy.wait()

        out_copies = []
        for k in range(bpw):
            b = wid + k * nw
            bv = jnp.full((_L,), b, dtype=jnp.int32)
            for j in range(_NUM_CLASSES):
                copies[k * _NUM_CLASSES + j].wait()
            picks = [
                _shuffle(bufs[k * _NUM_CLASSES + j][...],
                         jnp.full((_L,), lanes[j], jnp.int32))
                for j in range(_NUM_CLASSES)
            ]
            bm = bv & (_L - 1)
            tgt_splat = jnp.where(bv < _L,
                                  _shuffle(tgt_v[pl.ds(0, _L)], bm),
                                  _shuffle(tgt_v[pl.ds(_L, _L)], bm))
            ov = outs[k % 2]
            ov[...] = _cross_entropy(picks, tgt_splat)
            out_copies.append(pltpu.async_copy(ov, out_hbm.at[b], sem3))
        for c in out_copies:
            c.wait()

    def run(model_outputs, targets):
        out2d = sc_call(model_outputs, targets.reshape(B).astype(jnp.int32))
        return out2d[:, 0]

    return run


def kernel(model_outputs, targets, input_pos):
    B, S, V = model_outputs.shape
    return _build_sc_call(B, S, V)(model_outputs, targets)

# --- scband reference (transcript-rebuilt; emitter-appended) ---
"""Pipeline reference for scband-sequence-classification-on-logits-17712445129323 (READ-ONLY COPY).

The authoritative reference and input builder live on the scoring server;
editing this copy changes nothing except your own understanding.
"""

import jax, jax.numpy as jnp
import numpy as np

VOCAB = 100000
CLASS_TOKENS = (11, 257, 1024, 4096, 9999, 20000, 50000, 99999)
NUM_CLASSES = len(CLASS_TOKENS)


def setup_inputs(seed: int = 0) -> dict:
    key = jax.random.key(seed)
    k1, k2 = jax.random.split(key)
    model_outputs = jax.random.normal(k1, (32, 8, VOCAB), dtype=jnp.float32)
    targets = jax.random.randint(k2, (32, 1), 0, NUM_CLASSES, dtype=jnp.int64 if jax.config.jax_enable_x64 else jnp.int32)
    return {"model_outputs": model_outputs, "targets": targets, "input_pos": 0}


def reference(model_outputs, targets, input_pos):
    # _check_model_outputs_targets: diff = S - targets.length
    diff = model_outputs.shape[-2] - targets.shape[-1]
    tokens = jnp.array(CLASS_TOKENS, dtype=jnp.int32)
    # gather: model_outputs[:, diff:, class_label_tokens]
    selected_logits = jnp.take(model_outputs[:, diff:, :], tokens, axis=-1)  # [B, T, C]
    B, T, C = selected_logits.shape
    logits = selected_logits.reshape(-1, C)
    tgt = targets.reshape(-1)
    # F.cross_entropy(..., reduction='none')
    lse = jax.nn.logsumexp(logits, axis=-1)
    picked = jnp.take_along_axis(logits, tgt[:, None].astype(jnp.int32), axis=-1)[:, 0]
    losses = lse - picked
    return losses.reshape(B, T).mean(axis=-1)

if __name__ == "__main__":
    import jax
    _d = setup_inputs()
    print(jax.jit(kernel)(*tuple(_d.values())))

</pallas_src>

<mosaic_0001>
#map = affine_map<(d0, d1) -> (0, 0, 0)>
#map1 = affine_map<(d0, d1) -> (0)>
#map2 = affine_map<(d0, d1) -> (0, 0)>
module attributes {stable_mosaic.version = 14 : i64} {
  func.func @sc_call(%arg0: i32, %arg1: i32, %arg2: memref<32x8x100000xf32, #tpu.memory_space<hbm>>, %arg3: memref<32xi32, #tpu.memory_space<hbm>>, %arg4: memref<32x16xf32, #tpu.memory_space<hbm>>, %arg5: memref<16xf32, #tpu.memory_space<vmem>>, %arg6: memref<16xf32, #tpu.memory_space<vmem>>, %arg7: memref<16xf32, #tpu.memory_space<vmem>>, %arg8: memref<16xf32, #tpu.memory_space<vmem>>, %arg9: memref<16xf32, #tpu.memory_space<vmem>>, %arg10: memref<16xf32, #tpu.memory_space<vmem>>, %arg11: memref<16xf32, #tpu.memory_space<vmem>>, %arg12: memref<16xf32, #tpu.memory_space<vmem>>, %arg13: memref<16xf32, #tpu.memory_space<vmem>>, %arg14: memref<16xf32, #tpu.memory_space<vmem>>, %arg15: memref<16xf32, #tpu.memory_space<vmem>>, %arg16: memref<16xf32, #tpu.memory_space<vmem>>, %arg17: memref<16xf32, #tpu.memory_space<vmem>>, %arg18: memref<16xf32, #tpu.memory_space<vmem>>, %arg19: memref<16xf32, #tpu.memory_space<vmem>>, %arg20: memref<16xf32, #tpu.memory_space<vmem>>, %arg21: memref<16xf32, #tpu.memory_space<vmem>>, %arg22: memref<16xf32, #tpu.memory_space<vmem>>, %arg23: memref<32xi32, #tpu.memory_space<vmem>>, %arg24: memref<!tpu.dma_semaphore, #tpu.memory_space<semaphore_mem>>, %arg25: memref<!tpu.dma_semaphore, #tpu.memory_space<semaphore_mem>>, %arg26: memref<!tpu.dma_semaphore, #tpu.memory_space<semaphore_mem>>) attributes {dimension_semantics = [#tpu.dimension_semantics<core_parallel>, #tpu.dimension_semantics<subcore_parallel>], iteration_bounds = array<i64: 1, 16>, scalar_prefetch = 0 : i64, scratch_operands = 22 : i64, tpu.core_type = #tpu.core_type<sc_vector_subcore>, window_params = [{transform_indices = #map}, {transform_indices = #map1}, {transform_indices = #map2}]} {
    %mul3A = arith.constant 1 : i32
    %mul3A_0 = arith.muli %arg1, %mul3A : i32
    %add3A = arith.addi %mul3A_0, %arg0 : i32
    %add3A_1 = arith.constant 0 : i32
    %add3A_2 = arith.addi %add3A, %add3A_1 : i32
    %dma_start3A = arith.constant 7 : i32
    %dma_start3A_3 = arith.constant 0 : i32
    %dma_start3A_4 = tpu.memref_slice %arg2[%add3A_2, %dma_start3A, %dma_start3A_3] : memref<32x8x100000xf32, #tpu.memory_space<hbm>> -> memref<1x1x16xf32, #tpu.memory_space<hbm>>
    %dma_start3A_5 = tpu.memref_squeeze %dma_start3A_4 : memref<1x1x16xf32, #tpu.memory_space<hbm>> -> memref<16xf32, #tpu.memory_space<hbm>>
    %dma_start3A_6 = arith.constant 0 : i32
    %dma_start3A_7 = tpu.memref_slice %arg2[%add3A_2, %dma_start3A, %dma_start3A_6] : memref<32x8x100000xf32, #tpu.memory_space<hbm>> -> memref<1x1x16xf32, #tpu.memory_space<hbm>>
    %dma_start3A_8 = tpu.memref_squeeze %dma_start3A_7 : memref<1x1x16xf32, #tpu.memory_space<hbm>> -> memref<16xf32, #tpu.memory_space<hbm>>
    tpu.enqueue_dma source(%dma_start3A_8 : memref<16xf32, #tpu.memory_space<hbm>>) target(%arg5 : memref<16xf32, #tpu.memory_space<vmem>>) target_semaphore(%arg24 : memref<!tpu.dma_semaphore, #tpu.memory_space<semaphore_mem>>)
    %dma_start3A_9 = arith.constant 7 : i32
    %dma_start3A_10 = arith.constant 256 : i32
    %dma_start3A_11 = tpu.memref_slice %arg2[%add3A_2, %dma_start3A_9, %dma_start3A_10] : memref<32x8x100000xf32, #tpu.memory_space<hbm>> -> memref<1x1x16xf32, #tpu.memory_space<hbm>>
    %dma_start3A_12 = tpu.memref_squeeze %dma_start3A_11 : memref<1x1x16xf32, #tpu.memory_space<hbm>> -> memref<16xf32, #tpu.memory_space<hbm>>
    %dma_start3A_13 = arith.constant 256 : i32
    %dma_start3A_14 = tpu.memref_slice %arg2[%add3A_2, %dma_start3A_9, %dma_start3A_13] : memref<32x8x100000xf32, #tpu.memory_space<hbm>> -> memref<1x1x16xf32, #tpu.memory_space<hbm>>
    %dma_start3A_15 = tpu.memref_squeeze %dma_start3A_14 : memref<1x1x16xf32, #tpu.memory_space<hbm>> -> memref<16xf32, #tpu.memory_space<hbm>>
    tpu.enqueue_dma source(%dma_start3A_15 : memref<16xf32, #tpu.memory_space<hbm>>) target(%arg6 : memref<16xf32, #tpu.memory_space<vmem>>) target_semaphore(%arg24 : memref<!tpu.dma_semaphore, #tpu.memory_space<semaphore_mem>>)
    %dma_start3A_16 = arith.constant 7 : i32
    %dma_start3A_17 = arith.constant 1024 : i32
    %dma_start3A_18 = tpu.memref_slice %arg2[%add3A_2, %dma_start3A_16, %dma_start3A_17] : memref<32x8x100000xf32, #tpu.memory_space<hbm>> -> memref<1x1x16xf32, #tpu.memory_space<hbm>>
    %dma_start3A_19 = tpu.memref_squeeze %dma_start3A_18 : memref<1x1x16xf32, #tpu.memory_space<hbm>> -> memref<16xf32, #tpu.memory_space<hbm>>
    %dma_start3A_20 = arith.constant 1024 : i32
    %dma_start3A_21 = tpu.memref_slice %arg2[%add3A_2, %dma_start3A_16, %dma_start3A_20] : memref<32x8x100000xf32, #tpu.memory_space<hbm>> -> memref<1x1x16xf32, #tpu.memory_space<hbm>>
    %dma_start3A_22 = tpu.memref_squeeze %dma_start3A_21 : memref<1x1x16xf32, #tpu.memory_space<hbm>> -> memref<16xf32, #tpu.memory_space<hbm>>
    tpu.enqueue_dma source(%dma_start3A_22 : memref<16xf32, #tpu.memory_space<hbm>>) target(%arg7 : memref<16xf32, #tpu.memory_space<vmem>>) target_semaphore(%arg24 : memref<!tpu.dma_semaphore, #tpu.memory_space<semaphore_mem>>)
    %dma_start3A_23 = arith.constant 7 : i32
    %dma_start3A_24 = arith.constant 4096 : i32
    %dma_start3A_25 = tpu.memref_slice %arg2[%add3A_2, %dma_start3A_23, %dma_start3A_24] : memref<32x8x100000xf32, #tpu.memory_space<hbm>> -> memref<1x1x16xf32, #tpu.memory_space<hbm>>
    %dma_start3A_26 = tpu.memref_squeeze %dma_start3A_25 : memref<1x1x16xf32, #tpu.memory_space<hbm>> -> memref<16xf32, #tpu.memory_space<hbm>>
    %dma_start3A_27 = arith.constant 4096 : i32
    %dma_start3A_28 = tpu.memref_slice %arg2[%add3A_2, %dma_start3A_23, %dma_start3A_27] : memref<32x8x100000xf32, #tpu.memory_space<hbm>> -> memref<1x1x16xf32, #tpu.memory_space<hbm>>
    %dma_start3A_29 = tpu.memref_squeeze %dma_start3A_28 : memref<1x1x16xf32, #tpu.memory_space<hbm>> -> memref<16xf32, #tpu.memory_space<hbm>>
    tpu.enqueue_dma source(%dma_start3A_29 : memref<16xf32, #tpu.memory_space<hbm>>) target(%arg8 : memref<16xf32, #tpu.memory_space<vmem>>) target_semaphore(%arg24 : memref<!tpu.dma_semaphore, #tpu.memory_space<semaphore_mem>>)
    %dma_start3A_30 = arith.constant 7 : i32
    %dma_start3A_31 = arith.constant 9984 : i32
    %dma_start3A_32 = tpu.memref_slice %arg2[%add3A_2, %dma_start3A_30, %dma_start3A_31] : memref<32x8x100000xf32, #tpu.memory_space<hbm>> -> memref<1x1x16xf32, #tpu.memory_space<hbm>>
    %dma_start3A_33 = tpu.memref_squeeze %dma_start3A_32 : memref<1x1x16xf32, #tpu.memory_space<hbm>> -> memref<16xf32, #tpu.memory_space<hbm>>
    %dma_start3A_34 = arith.constant 9984 : i32
    %dma_start3A_35 = tpu.memref_slice %arg2[%add3A_2, %dma_start3A_30, %dma_start3A_34] : memref<32x8x100000xf32, #tpu.memory_space<hbm>> -> memref<1x1x16xf32, #tpu.memory_space<hbm>>
    %dma_start3A_36 = tpu.memref_squeeze %dma_start3A_35 : memref<1x1x16xf32, #tpu.memory_space<hbm>> -> memref<16xf32, #tpu.memory_space<hbm>>
    tpu.enqueue_dma source(%dma_start3A_36 : memref<16xf32, #tpu.memory_space<hbm>>) target(%arg9 : memref<16xf32, #tpu.memory_space<vmem>>) target_semaphore(%arg24 : memref<!tpu.dma_semaphore, #tpu.memory_space<semaphore_mem>>)
    %dma_start3A_37 = arith.constant 7 : i32
    %dma_start3A_38 = arith.constant 20000 : i32
    %dma_start3A_39 = tpu.memref_slice %arg2[%add3A_2, %dma_start3A_37, %dma_start3A_38] : memref<32x8x100000xf32, #tpu.memory_space<hbm>> -> memref<1x1x16xf32, #tpu.memory_space<hbm>>
    %dma_start3A_40 = tpu.memref_squeeze %dma_start3A_39 : memref<1x1x16xf32, #tpu.memory_space<hbm>> -> memref<16xf32, #tpu.memory_space<hbm>>
    %dma_start3A_41 = arith.constant 20000 : i32
    %dma_start3A_42 = tpu.memref_slice %arg2[%add3A_2, %dma_start3A_37, %dma_start3A_41] : memref<32x8x100000xf32, #tpu.memory_space<hbm>> -> memref<1x1x16xf32, #tpu.memory_space<hbm>>
    %dma_start3A_43 = tpu.memref_squeeze %dma_start3A_42 : memref<1x1x16xf32, #tpu.memory_space<hbm>> -> memref<16xf32, #tpu.memory_space<hbm>>
    tpu.enqueue_dma source(%dma_start3A_43 : memref<16xf32, #tpu.memory_space<hbm>>) target(%arg10 : memref<16xf32, #tpu.memory_space<vmem>>) target_semaphore(%arg24 : memref<!tpu.dma_semaphore, #tpu.memory_space<semaphore_mem>>)
    %dma_start3A_44 = arith.constant 7 : i32
    %dma_start3A_45 = arith.constant 50000 : i32
    %dma_start3A_46 = tpu.memref_slice %arg2[%add3A_2, %dma_start3A_44, %dma_start3A_45] : memref<32x8x100000xf32, #tpu.memory_space<hbm>> -> memref<1x1x16xf32, #tpu.memory_space<hbm>>
    %dma_start3A_47 = tpu.memref_squeeze %dma_start3A_46 : memref<1x1x16xf32, #tpu.memory_space<hbm>> -> memref<16xf32, #tpu.memory_space<hbm>>
    %dma_start3A_48 = arith.constant 50000 : i32
    %dma_start3A_49 = tpu.memref_slice %arg2[%add3A_2, %dma_start3A_44, %dma_start3A_48] : memref<32x8x100000xf32, #tpu.memory_space<hbm>> -> memref<1x1x16xf32, #tpu.memory_space<hbm>>
    %dma_start3A_50 = tpu.memref_squeeze %dma_start3A_49 : memref<1x1x16xf32, #tpu.memory_space<hbm>> -> memref<16xf32, #tpu.memory_space<hbm>>
    tpu.enqueue_dma source(%dma_start3A_50 : memref<16xf32, #tpu.memory_space<hbm>>) target(%arg11 : memref<16xf32, #tpu.memory_space<vmem>>) target_semaphore(%arg24 : memref<!tpu.dma_semaphore, #tpu.memory_space<semaphore_mem>>)
    %dma_start3A_51 = arith.constant 7 : i32
    %dma_start3A_52 = arith.constant 99984 : i32
    %dma_start3A_53 = tpu.memref_slice %arg2[%add3A_2, %dma_start3A_51, %dma_start3A_52] : memref<32x8x100000xf32, #tpu.memory_space<hbm>> -> memref<1x1x16xf32, #tpu.memory_space<hbm>>
    %dma_start3A_54 = tpu.memref_squeeze %dma_start3A_53 : memref<1x1x16xf32, #tpu.memory_space<hbm>> -> memref<16xf32, #tpu.memory_space<hbm>>
    %dma_start3A_55 = arith.constant 99984 : i32
    %dma_start3A_56 = tpu.memref_slice %arg2[%add3A_2, %dma_start3A_51, %dma_start3A_55] : memref<32x8x100000xf32, #tpu.memory_space<hbm>> -> memref<1x1x16xf32, #tpu.memory_space<hbm>>
    %dma_start3A_57 = tpu.memref_squeeze %dma_start3A_56 : memref<1x1x16xf32, #tpu.memory_space<hbm>> -> memref<16xf32, #tpu.memory_space<hbm>>
    tpu.enqueue_dma source(%dma_start3A_57 : memref<16xf32, #tpu.memory_space<hbm>>) target(%arg12 : memref<16xf32, #tpu.memory_space<vmem>>) target_semaphore(%arg24 : memref<!tpu.dma_semaphore, #tpu.memory_space<semaphore_mem>>)
    %add3A_58 = arith.constant 16 : i32
    %add3A_59 = arith.addi %add3A, %add3A_58 : i32
    %dma_start3A_60 = arith.constant 7 : i32
    %dma_start3A_61 = arith.constant 0 : i32
    %dma_start3A_62 = tpu.memref_slice %arg2[%add3A_59, %dma_start3A_60, %dma_start3A_61] : memref<32x8x100000xf32, #tpu.memory_space<hbm>> -> memref<1x1x16xf32, #tpu.memory_space<hbm>>
    %dma_start3A_63 = tpu.memref_squeeze %dma_start3A_62 : memref<1x1x16xf32, #tpu.memory_space<hbm>> -> memref<16xf32, #tpu.memory_space<hbm>>
    %dma_start3A_64 = arith.constant 0 : i32
    %dma_start3A_65 = tpu.memref_slice %arg2[%add3A_59, %dma_start3A_60, %dma_start3A_64] : memref<32x8x100000xf32, #tpu.memory_space<hbm>> -> memref<1x1x16xf32, #tpu.memory_space<hbm>>
    %dma_start3A_66 = tpu.memref_squeeze %dma_start3A_65 : memref<1x1x16xf32, #tpu.memory_space<hbm>> -> memref<16xf32, #tpu.memory_space<hbm>>
    tpu.enqueue_dma source(%dma_start3A_66 : memref<16xf32, #tpu.memory_space<hbm>>) target(%arg13 : memref<16xf32, #tpu.memory_space<vmem>>) target_semaphore(%arg24 : memref<!tpu.dma_semaphore, #tpu.memory_space<semaphore_mem>>)
    %dma_start3A_67 = arith.constant 7 : i32
    %dma_start3A_68 = arith.constant 256 : i32
    %dma_start3A_69 = tpu.memref_slice %arg2[%add3A_59, %dma_start3A_67, %dma_start3A_68] : memref<32x8x100000xf32, #tpu.memory_space<hbm>> -> memref<1x1x16xf32, #tpu.memory_space<hbm>>
    %dma_start3A_70 = tpu.memref_squeeze %dma_start3A_69 : memref<1x1x16xf32, #tpu.memory_space<hbm>> -> memref<16xf32, #tpu.memory_space<hbm>>
    %dma_start3A_71 = arith.constant 256 : i32
    %dma_start3A_72 = tpu.memref_slice %arg2[%add3A_59, %dma_start3A_67, %dma_start3A_71] : memref<32x8x100000xf32, #tpu.memory_space<hbm>> -> memref<1x1x16xf32, #tpu.memory_space<hbm>>
    %dma_start3A_73 = tpu.memref_squeeze %dma_start3A_72 : memref<1x1x16xf32, #tpu.memory_space<hbm>> -> memref<16xf32, #tpu.memory_space<hbm>>
    tpu.enqueue_dma source(%dma_start3A_73 : memref<16xf32, #tpu.memory_space<hbm>>) target(%arg14 : memref<16xf32, #tpu.memory_space<vmem>>) target_semaphore(%arg24 : memref<!tpu.dma_semaphore, #tpu.memory_space<semaphore_mem>>)
    %dma_start3A_74 = arith.constant 7 : i32
    %dma_start3A_75 = arith.constant 1024 : i32
    %dma_start3A_76 = tpu.memref_slice %arg2[%add3A_59, %dma_start3A_74, %dma_start3A_75] : memref<32x8x100000xf32, #tpu.memory_space<hbm>> -> memref<1x1x16xf32, #tpu.memory_space<hbm>>
    %dma_start3A_77 = tpu.memref_squeeze %dma_start3A_76 : memref<1x1x16xf32, #tpu.memory_space<hbm>> -> memref<16xf32, #tpu.memory_space<hbm>>
    %dma_start3A_78 = arith.constant 1024 : i32
    %dma_start3A_79 = tpu.memref_slice %arg2[%add3A_59, %dma_start3A_74, %dma_start3A_78] : memref<32x8x100000xf32, #tpu.memory_space<hbm>> -> memref<1x1x16xf32, #tpu.memory_space<hbm>>
    %dma_start3A_80 = tpu.memref_squeeze %dma_start3A_79 : memref<1x1x16xf32, #tpu.memory_space<hbm>> -> memref<16xf32, #tpu.memory_space<hbm>>
    tpu.enqueue_dma source(%dma_start3A_80 : memref<16xf32, #tpu.memory_space<hbm>>) target(%arg15 : memref<16xf32, #tpu.memory_space<vmem>>) target_semaphore(%arg24 : memref<!tpu.dma_semaphore, #tpu.memory_space<semaphore_mem>>)
    %dma_start3A_81 = arith.constant 7 : i32
    %dma_start3A_82 = arith.constant 4096 : i32
    %dma_start3A_83 = tpu.memref_slice %arg2[%add3A_59, %dma_start3A_81, %dma_start3A_82] : memref<32x8x100000xf32, #tpu.memory_space<hbm>> -> memref<1x1x16xf32, #tpu.memory_space<hbm>>
    %dma_start3A_84 = tpu.memref_squeeze %dma_start3A_83 : memref<1x1x16xf32, #tpu.memory_space<hbm>> -> memref<16xf32, #tpu.memory_space<hbm>>
    %dma_start3A_85 = arith.constant 4096 : i32
    %dma_start3A_86 = tpu.memref_slice %arg2[%add3A_59, %dma_start3A_81, %dma_start3A_85] : memref<32x8x100000xf32, #tpu.memory_space<hbm>> -> memref<1x1x16xf32, #tpu.memory_space<hbm>>
    %dma_start3A_87 = tpu.memref_squeeze %dma_start3A_86 : memref<1x1x16xf32, #tpu.memory_space<hbm>> -> memref<16xf32, #tpu.memory_space<hbm>>
    tpu.enqueue_dma source(%dma_start3A_87 : memref<16xf32, #tpu.memory_space<hbm>>) target(%arg16 : memref<16xf32, #tpu.memory_space<vmem>>) target_semaphore(%arg24 : memref<!tpu.dma_semaphore, #tpu.memory_space<semaphore_mem>>)
    %dma_start3A_88 = arith.constant 7 : i32
    %dma_start3A_89 = arith.constant 9984 : i32
    %dma_start3A_90 = tpu.memref_slice %arg2[%add3A_59, %dma_start3A_88, %dma_start3A_89] : memref<32x8x100000xf32, #tpu.memory_space<hbm>> -> memref<1x1x16xf32, #tpu.memory_space<hbm>>
    %dma_start3A_91 = tpu.memref_squeeze %dma_start3A_90 : memref<1x1x16xf32, #tpu.memory_space<hbm>> -> memref<16xf32, #tpu.memory_space<hbm>>
    %dma_start3A_92 = arith.constant 9984 : i32
    %dma_start3A_93 = tpu.memref_slice %arg2[%add3A_59, %dma_start3A_88, %dma_start3A_92] : memref<32x8x100000xf32, #tpu.memory_space<hbm>> -> memref<1x1x16xf32, #tpu.memory_space<hbm>>
    %dma_start3A_94 = tpu.memref_squeeze %dma_start3A_93 : memref<1x1x16xf32, #tpu.memory_space<hbm>> -> memref<16xf32, #tpu.memory_space<hbm>>
    tpu.enqueue_dma source(%dma_start3A_94 : memref<16xf32, #tpu.memory_space<hbm>>) target(%arg17 : memref<16xf32, #tpu.memory_space<vmem>>) target_semaphore(%arg24 : memref<!tpu.dma_semaphore, #tpu.memory_space<semaphore_mem>>)
    %dma_start3A_95 = arith.constant 7 : i32
    %dma_start3A_96 = arith.constant 20000 : i32
    %dma_start3A_97 = tpu.memref_slice %arg2[%add3A_59, %dma_start3A_95, %dma_start3A_96] : memref<32x8x100000xf32, #tpu.memory_space<hbm>> -> memref<1x1x16xf32, #tpu.memory_space<hbm>>
    %dma_start3A_98 = tpu.memref_squeeze %dma_start3A_97 : memref<1x1x16xf32, #tpu.memory_space<hbm>> -> memref<16xf32, #tpu.memory_space<hbm>>
    %dma_start3A_99 = arith.constant 20000 : i32
    %dma_start3A_100 = tpu.memref_slice %arg2[%add3A_59, %dma_start3A_95, %dma_start3A_99] : memref<32x8x100000xf32, #tpu.memory_space<hbm>> -> memref<1x1x16xf32, #tpu.memory_space<hbm>>
    %dma_start3A_101 = tpu.memref_squeeze %dma_start3A_100 : memref<1x1x16xf32, #tpu.memory_space<hbm>> -> memref<16xf32, #tpu.memory_space<hbm>>
    tpu.enqueue_dma source(%dma_start3A_101 : memref<16xf32, #tpu.memory_space<hbm>>) target(%arg18 : memref<16xf32, #tpu.memory_space<vmem>>) target_semaphore(%arg24 : memref<!tpu.dma_semaphore, #tpu.memory_space<semaphore_mem>>)
    %dma_start3A_102 = arith.constant 7 : i32
    %dma_start3A_103 = arith.constant 50000 : i32
    %dma_start3A_104 = tpu.memref_slice %arg2[%add3A_59, %dma_start3A_102, %dma_start3A_103] : memref<32x8x100000xf32, #tpu.memory_space<hbm>> -> memref<1x1x16xf32, #tpu.memory_space<hbm>>
    %dma_start3A_105 = tpu.memref_squeeze %dma_start3A_104 : memref<1x1x16xf32, #tpu.memory_space<hbm>> -> memref<16xf32, #tpu.memory_space<hbm>>
    %dma_start3A_106 = arith.constant 50000 : i32
    %dma_start3A_107 = tpu.memref_slice %arg2[%add3A_59, %dma_start3A_102, %dma_start3A_106] : memref<32x8x100000xf32, #tpu.memory_space<hbm>> -> memref<1x1x16xf32, #tpu.memory_space<hbm>>
    %dma_start3A_108 = tpu.memref_squeeze %dma_start3A_107 : memref<1x1x16xf32, #tpu.memory_space<hbm>> -> memref<16xf32, #tpu.memory_space<hbm>>
    tpu.enqueue_dma source(%dma_start3A_108 : memref<16xf32, #tpu.memory_space<hbm>>) target(%arg19 : memref<16xf32, #tpu.memory_space<vmem>>) target_semaphore(%arg24 : memref<!tpu.dma_semaphore, #tpu.memory_space<semaphore_mem>>)
    %dma_start3A_109 = arith.constant 7 : i32
    %dma_start3A_110 = arith.constant 99984 : i32
    %dma_start3A_111 = tpu.memref_slice %arg2[%add3A_59, %dma_start3A_109, %dma_start3A_110] : memref<32x8x100000xf32, #tpu.memory_space<hbm>> -> memref<1x1x16xf32, #tpu.memory_space<hbm>>
    %dma_start3A_112 = tpu.memref_squeeze %dma_start3A_111 : memref<1x1x16xf32, #tpu.memory_space<hbm>> -> memref<16xf32, #tpu.memory_space<hbm>>
    %dma_start3A_113 = arith.constant 99984 : i32
    %dma_start3A_114 = tpu.memref_slice %arg2[%add3A_59, %dma_start3A_109, %dma_start3A_113] : memref<32x8x100000xf32, #tpu.memory_space<hbm>> -> memref<1x1x16xf32, #tpu.memory_space<hbm>>
    %dma_start3A_115 = tpu.memref_squeeze %dma_start3A_114 : memref<1x1x16xf32, #tpu.memory_space<hbm>> -> memref<16xf32, #tpu.memory_space<hbm>>
    tpu.enqueue_dma source(%dma_start3A_115 : memref<16xf32, #tpu.memory_space<hbm>>) target(%arg20 : memref<16xf32, #tpu.memory_space<vmem>>) target_semaphore(%arg24 : memref<!tpu.dma_semaphore, #tpu.memory_space<semaphore_mem>>)
    tpu.enqueue_dma source(%arg3 : memref<32xi32, #tpu.memory_space<hbm>>) target(%arg23 : memref<32xi32, #tpu.memory_space<vmem>>) target_semaphore(%arg25 : memref<!tpu.dma_semaphore, #tpu.memory_space<semaphore_mem>>)
    tpu.wait_dma2 semaphore(%arg25 : memref<!tpu.dma_semaphore, #tpu.memory_space<semaphore_mem>>) src(%arg3 : memref<32xi32, #tpu.memory_space<hbm>>) dst(%arg23 : memref<32xi32, #tpu.memory_space<vmem>>)
    %add3A_116 = arith.constant 0 : i32
    %add3A_117 = arith.addi %add3A, %add3A_116 : i32
    %broadcast_in_dim3A = vector.broadcast %add3A_117 : i32 to vector<16xi32>
    %dma_wait3A = arith.constant 7 : i32
    %dma_wait3A_118 = arith.constant 0 : i32
    %dma_wait3A_119 = tpu.memref_slice %arg2[%add3A_2, %dma_wait3A, %dma_wait3A_118] : memref<32x8x100000xf32, #tpu.memory_space<hbm>> -> memref<1x1x16xf32, #tpu.memory_space<hbm>>
    %dma_wait3A_120 = tpu.memref_squeeze %dma_wait3A_119 : memref<1x1x16xf32, #tpu.memory_space<hbm>> -> memref<16xf32, #tpu.memory_space<hbm>>
    %dma_wait3A_121 = arith.constant 0 : i32
    %dma_wait3A_122 = tpu.memref_slice %arg2[%add3A_2, %dma_wait3A, %dma_wait3A_121] : memref<32x8x100000xf32, #tpu.memory_space<hbm>> -> memref<1x1x16xf32, #tpu.memory_space<hbm>>
    %dma_wait3A_123 = tpu.memref_squeeze %dma_wait3A_122 : memref<1x1x16xf32, #tpu.memory_space<hbm>> -> memref<16xf32, #tpu.memory_space<hbm>>
    tpu.wait_dma2 semaphore(%arg24 : memref<!tpu.dma_semaphore, #tpu.memory_space<semaphore_mem>>) src(%dma_wait3A_123 : memref<16xf32, #tpu.memory_space<hbm>>) dst(%arg5 : memref<16xf32, #tpu.memory_space<vmem>>)
    %dma_wait3A_124 = arith.constant 7 : i32
    %dma_wait3A_125 = arith.constant 256 : i32
    %dma_wait3A_126 = tpu.memref_slice %arg2[%add3A_2, %dma_wait3A_124, %dma_wait3A_125] : memref<32x8x100000xf32, #tpu.memory_space<hbm>> -> memref<1x1x16xf32, #tpu.memory_space<hbm>>
    %dma_wait3A_127 = tpu.memref_squeeze %dma_wait3A_126 : memref<1x1x16xf32, #tpu.memory_space<hbm>> -> memref<16xf32, #tpu.memory_space<hbm>>
    %dma_wait3A_128 = arith.constant 256 : i32
    %dma_wait3A_129 = tpu.memref_slice %arg2[%add3A_2, %dma_wait3A_124, %dma_wait3A_128] : memref<32x8x100000xf32, #tpu.memory_space<hbm>> -> memref<1x1x16xf32, #tpu.memory_space<hbm>>
    %dma_wait3A_130 = tpu.memref_squeeze %dma_wait3A_129 : memref<1x1x16xf32, #tpu.memory_space<hbm>> -> memref<16xf32, #tpu.memory_space<hbm>>
    tpu.wait_dma2 semaphore(%arg24 : memref<!tpu.dma_semaphore, #tpu.memory_space<semaphore_mem>>) src(%dma_wait3A_130 : memref<16xf32, #tpu.memory_space<hbm>>) dst(%arg6 : memref<16xf32, #tpu.memory_space<vmem>>)
    %dma_wait3A_131 = arith.constant 7 : i32
    %dma_wait3A_132 = arith.constant 1024 : i32
    %dma_wait3A_133 = tpu.memref_slice %arg2[%add3A_2, %dma_wait3A_131, %dma_wait3A_132] : memref<32x8x100000xf32, #tpu.memory_space<hbm>> -> memref<1x1x16xf32, #tpu.memory_space<hbm>>
    %dma_wait3A_134 = tpu.memref_squeeze %dma_wait3A_133 : memref<1x1x16xf32, #tpu.memory_space<hbm>> -> memref<16xf32, #tpu.memory_space<hbm>>
    %dma_wait3A_135 = arith.constant 1024 : i32
    %dma_wait3A_136 = tpu.memref_slice %arg2[%add3A_2, %dma_wait3A_131, %dma_wait3A_135] : memref<32x8x100000xf32, #tpu.memory_space<hbm>> -> memref<1x1x16xf32, #tpu.memory_space<hbm>>
    %dma_wait3A_137 = tpu.memref_squeeze %dma_wait3A_136 : memref<1x1x16xf32, #tpu.memory_space<hbm>> -> memref<16xf32, #tpu.memory_space<hbm>>
    tpu.wait_dma2 semaphore(%arg24 : memref<!tpu.dma_semaphore, #tpu.memory_space<semaphore_mem>>) src(%dma_wait3A_137 : memref<16xf32, #tpu.memory_space<hbm>>) dst(%arg7 : memref<16xf32, #tpu.memory_space<vmem>>)
    %dma_wait3A_138 = arith.constant 7 : i32
    %dma_wait3A_139 = arith.constant 4096 : i32
    %dma_wait3A_140 = tpu.memref_slice %arg2[%add3A_2, %dma_wait3A_138, %dma_wait3A_139] : memref<32x8x100000xf32, #tpu.memory_space<hbm>> -> memref<1x1x16xf32, #tpu.memory_space<hbm>>
    %dma_wait3A_141 = tpu.memref_squeeze %dma_wait3A_140 : memref<1x1x16xf32, #tpu.memory_space<hbm>> -> memref<16xf32, #tpu.memory_space<hbm>>
    %dma_wait3A_142 = arith.constant 4096 : i32
    %dma_wait3A_143 = tpu.memref_slice %arg2[%add3A_2, %dma_wait3A_138, %dma_wait3A_142] : memref<32x8x100000xf32, #tpu.memory_space<hbm>> -> memref<1x1x16xf32, #tpu.memory_space<hbm>>
    %dma_wait3A_144 = tpu.memref_squeeze %dma_wait3A_143 : memref<1x1x16xf32, #tpu.memory_space<hbm>> -> memref<16xf32, #tpu.memory_space<hbm>>
    tpu.wait_dma2 semaphore(%arg24 : memref<!tpu.dma_semaphore, #tpu.memory_space<semaphore_mem>>) src(%dma_wait3A_144 : memref<16xf32, #tpu.memory_space<hbm>>) dst(%arg8 : memref<16xf32, #tpu.memory_space<vmem>>)
    %dma_wait3A_145 = arith.constant 7 : i32
    %dma_wait3A_146 = arith.constant 9984 : i32
    %dma_wait3A_147 = tpu.memref_slice %arg2[%add3A_2, %dma_wait3A_145, %dma_wait3A_146] : memref<32x8x100000xf32, #tpu.memory_space<hbm>> -> memref<1x1x16xf32, #tpu.memory_space<hbm>>
    %dma_wait3A_148 = tpu.memref_squeeze %dma_wait3A_147 : memref<1x1x16xf32, #tpu.memory_space<hbm>> -> memref<16xf32, #tpu.memory_space<hbm>>
    %dma_wait3A_149 = arith.constant 9984 : i32
    %dma_wait3A_150 = tpu.memref_slice %arg2[%add3A_2, %dma_wait3A_145, %dma_wait3A_149] : memref<32x8x100000xf32, #tpu.memory_space<hbm>> -> memref<1x1x16xf32, #tpu.memory_space<hbm>>
    %dma_wait3A_151 = tpu.memref_squeeze %dma_wait3A_150 : memref<1x1x16xf32, #tpu.memory_space<hbm>> -> memref<16xf32, #tpu.memory_space<hbm>>
    tpu.wait_dma2 semaphore(%arg24 : memref<!tpu.dma_semaphore, #tpu.memory_space<semaphore_mem>>) src(%dma_wait3A_151 : memref<16xf32, #tpu.memory_space<hbm>>) dst(%arg9 : memref<16xf32, #tpu.memory_space<vmem>>)
    %dma_wait3A_152 = arith.constant 7 : i32
    %dma_wait3A_153 = arith.constant 20000 : i32
    %dma_wait3A_154 = tpu.memref_slice %arg2[%add3A_2, %dma_wait3A_152, %dma_wait3A_153] : memref<32x8x100000xf32, #tpu.memory_space<hbm>> -> memref<1x1x16xf32, #tpu.memory_space<hbm>>
    %dma_wait3A_155 = tpu.memref_squeeze %dma_wait3A_154 : memref<1x1x16xf32, #tpu.memory_space<hbm>> -> memref<16xf32, #tpu.memory_space<hbm>>
    %dma_wait3A_156 = arith.constant 20000 : i32
    %dma_wait3A_157 = tpu.memref_slice %arg2[%add3A_2, %dma_wait3A_152, %dma_wait3A_156] : memref<32x8x100000xf32, #tpu.memory_space<hbm>> -> memref<1x1x16xf32, #tpu.memory_space<hbm>>
    %dma_wait3A_158 = tpu.memref_squeeze %dma_wait3A_157 : memref<1x1x16xf32, #tpu.memory_space<hbm>> -> memref<16xf32, #tpu.memory_space<hbm>>
    tpu.wait_dma2 semaphore(%arg24 : memref<!tpu.dma_semaphore, #tpu.memory_space<semaphore_mem>>) src(%dma_wait3A_158 : memref<16xf32, #tpu.memory_space<hbm>>) dst(%arg10 : memref<16xf32, #tpu.memory_space<vmem>>)
    %dma_wait3A_159 = arith.constant 7 : i32
    %dma_wait3A_160 = arith.constant 50000 : i32
    %dma_wait3A_161 = tpu.memref_slice %arg2[%add3A_2, %dma_wait3A_159, %dma_wait3A_160] : memref<32x8x100000xf32, #tpu.memory_space<hbm>> -> memref<1x1x16xf32, #tpu.memory_space<hbm>>
    %dma_wait3A_162 = tpu.memref_squeeze %dma_wait3A_161 : memref<1x1x16xf32, #tpu.memory_space<hbm>> -> memref<16xf32, #tpu.memory_space<hbm>>
    %dma_wait3A_163 = arith.constant 50000 : i32
    %dma_wait3A_164 = tpu.memref_slice %arg2[%add3A_2, %dma_wait3A_159, %dma_wait3A_163] : memref<32x8x100000xf32, #tpu.memory_space<hbm>> -> memref<1x1x16xf32, #tpu.memory_space<hbm>>
    %dma_wait3A_165 = tpu.memref_squeeze %dma_wait3A_164 : memref<1x1x16xf32, #tpu.memory_space<hbm>> -> memref<16xf32, #tpu.memory_space<hbm>>
    tpu.wait_dma2 semaphore(%arg24 : memref<!tpu.dma_semaphore, #tpu.memory_space<semaphore_mem>>) src(%dma_wait3A_165 : memref<16xf32, #tpu.memory_space<hbm>>) dst(%arg11 : memref<16xf32, #tpu.memory_space<vmem>>)
    %dma_wait3A_166 = arith.constant 7 : i32
    %dma_wait3A_167 = arith.constant 99984 : i32
    %dma_wait3A_168 = tpu.memref_slice %arg2[%add3A_2, %dma_wait3A_166, %dma_wait3A_167] : memref<32x8x100000xf32, #tpu.memory_space<hbm>> -> memref<1x1x16xf32, #tpu.memory_space<hbm>>
    %dma_wait3A_169 = tpu.memref_squeeze %dma_wait3A_168 : memref<1x1x16xf32, #tpu.memory_space<hbm>> -> memref<16xf32, #tpu.memory_space<hbm>>
    %dma_wait3A_170 = arith.constant 99984 : i32
    %dma_wait3A_171 = tpu.memref_slice %arg2[%add3A_2, %dma_wait3A_166, %dma_wait3A_170] : memref<32x8x100000xf32, #tpu.memory_space<hbm>> -> memref<1x1x16xf32, #tpu.memory_space<hbm>>
    %dma_wait3A_172 = tpu.memref_squeeze %dma_wait3A_171 : memref<1x1x16xf32, #tpu.memory_space<hbm>> -> memref<16xf32, #tpu.memory_space<hbm>>
    tpu.wait_dma2 semaphore(%arg24 : memref<!tpu.dma_semaphore, #tpu.memory_space<semaphore_mem>>) src(%dma_wait3A_172 : memref<16xf32, #tpu.memory_space<hbm>>) dst(%arg12 : memref<16xf32, #tpu.memory_space<vmem>>)
    %get3A = arith.constant 0 : index
    %get3A_173 = tpu.vector_load %arg5[%get3A] {strides = array<i32>} : memref<16xf32, #tpu.memory_space<vmem>>, vector<16xf32>,
    %get3A_174 = vector.shape_cast %get3A_173 : vector<16xf32> to vector<16xf32>
    %broadcast_in_dim3A_175 = arith.constant 11 : i32
    %broadcast_in_dim3A_176 = vector.broadcast %broadcast_in_dim3A_175 : i32 to vector<16xi32>
    %broadcast_in_dim3A_177 = vector.shape_cast %broadcast_in_dim3A_176 : vector<16xi32> to vector<16x1xi32>
    %gather3A = vector.shape_cast %broadcast_in_dim3A_177 : vector<16x1xi32> to vector<16xi32>
    %gather3A_178 = tpu.dynamic_gather %get3A_174[%gather3A] in [0] : vector<16xf32>, vector<16xi32> -> vector<16xf32>
    %get3A_179 = arith.constant 0 : index
    %get3A_180 = tpu.vector_load %arg6[%get3A_179] {strides = array<i32>} : memref<16xf32, #tpu.memory_space<vmem>>, vector<16xf32>,
    %get3A_181 = vector.shape_cast %get3A_180 : vector<16xf32> to vector<16xf32>
    %broadcast_in_dim3A_182 = arith.constant 1 : i32
    %broadcast_in_dim3A_183 = vector.broadcast %broadcast_in_dim3A_182 : i32 to vector<16xi32>
    %broadcast_in_dim3A_184 = vector.shape_cast %broadcast_in_dim3A_183 : vector<16xi32> to vector<16x1xi32>
    %gather3A_185 = vector.shape_cast %broadcast_in_dim3A_184 : vector<16x1xi32> to vector<16xi32>
    %gather3A_186 = tpu.dynamic_gather %get3A_181[%gather3A_185] in [0] : vector<16xf32>, vector<16xi32> -> vector<16xf32>
    %get3A_187 = arith.constant 0 : index
    %get3A_188 = tpu.vector_load %arg7[%get3A_187] {strides = array<i32>} : memref<16xf32, #tpu.memory_space<vmem>>, vector<16xf32>,
    %get3A_189 = vector.shape_cast %get3A_188 : vector<16xf32> to vector<16xf32>
    %broadcast_in_dim3A_190 = arith.constant 0 : i32
    %broadcast_in_dim3A_191 = vector.broadcast %broadcast_in_dim3A_190 : i32 to vector<16xi32>
    %broadcast_in_dim3A_192 = vector.shape_cast %broadcast_in_dim3A_191 : vector<16xi32> to vector<16x1xi32>
    %gather3A_193 = vector.shape_cast %broadcast_in_dim3A_192 : vector<16x1xi32> to vector<16xi32>
    %gather3A_194 = tpu.dynamic_gather %get3A_189[%gather3A_193] in [0] : vector<16xf32>, vector<16xi32> -> vector<16xf32>
    %get3A_195 = arith.constant 0 : index
    %get3A_196 = tpu.vector_load %arg8[%get3A_195] {strides = array<i32>} : memref<16xf32, #tpu.memory_space<vmem>>, vector<16xf32>,
    %get3A_197 = vector.shape_cast %get3A_196 : vector<16xf32> to vector<16xf32>
    %broadcast_in_dim3A_198 = arith.constant 0 : i32
    %broadcast_in_dim3A_199 = vector.broadcast %broadcast_in_dim3A_198 : i32 to vector<16xi32>
    %broadcast_in_dim3A_200 = vector.shape_cast %broadcast_in_dim3A_199 : vector<16xi32> to vector<16x1xi32>
    %gather3A_201 = vector.shape_cast %broadcast_in_dim3A_200 : vector<16x1xi32> to vector<16xi32>
    %gather3A_202 = tpu.dynamic_gather %get3A_197[%gather3A_201] in [0] : vector<16xf32>, vector<16xi32> -> vector<16xf32>
    %get3A_203 = arith.constant 0 : index
    %get3A_204 = tpu.vector_load %arg9[%get3A_203] {strides = array<i32>} : memref<16xf32, #tpu.memory_space<vmem>>, vector<16xf32>,
    %get3A_205 = vector.shape_cast %get3A_204 : vector<16xf32> to vector<16xf32>
    %broadcast_in_dim3A_206 = arith.constant 15 : i32
    %broadcast_in_dim3A_207 = vector.broadcast %broadcast_in_dim3A_206 : i32 to vector<16xi32>
    %broadcast_in_dim3A_208 = vector.shape_cast %broadcast_in_dim3A_207 : vector<16xi32> to vector<16x1xi32>
    %gather3A_209 = vector.shape_cast %broadcast_in_dim3A_208 : vector<16x1xi32> to vector<16xi32>
    %gather3A_210 = tpu.dynamic_gather %get3A_205[%gather3A_209] in [0] : vector<16xf32>, vector<16xi32> -> vector<16xf32>
    %get3A_211 = arith.constant 0 : index
    %get3A_212 = tpu.vector_load %arg10[%get3A_211] {strides = array<i32>} : memref<16xf32, #tpu.memory_space<vmem>>, vector<16xf32>,
    %get3A_213 = vector.shape_cast %get3A_212 : vector<16xf32> to vector<16xf32>
    %broadcast_in_dim3A_214 = arith.constant 0 : i32
    %broadcast_in_dim3A_215 = vector.broadcast %broadcast_in_dim3A_214 : i32 to vector<16xi32>
    %broadcast_in_dim3A_216 = vector.shape_cast %broadcast_in_dim3A_215 : vector<16xi32> to vector<16x1xi32>
    %gather3A_217 = vector.shape_cast %broadcast_in_dim3A_216 : vector<16x1xi32> to vector<16xi32>
    %gather3A_218 = tpu.dynamic_gather %get3A_213[%gather3A_217] in [0] : vector<16xf32>, vector<16xi32> -> vector<16xf32>
    %get3A_219 = arith.constant 0 : index
    %get3A_220 = tpu.vector_load %arg11[%get3A_219] {strides = array<i32>} : memref<16xf32, #tpu.memory_space<vmem>>, vector<16xf32>,
    %get3A_221 = vector.shape_cast %get3A_220 : vector<16xf32> to vector<16xf32>
    %broadcast_in_dim3A_222 = arith.constant 0 : i32
    %broadcast_in_dim3A_223 = vector.broadcast %broadcast_in_dim3A_222 : i32 to vector<16xi32>
    %broadcast_in_dim3A_224 = vector.shape_cast %broadcast_in_dim3A_223 : vector<16xi32> to vector<16x1xi32>
    %gather3A_225 = vector.shape_cast %broadcast_in_dim3A_224 : vector<16x1xi32> to vector<16xi32>
    %gather3A_226 = tpu.dynamic_gather %get3A_221[%gather3A_225] in [0] : vector<16xf32>, vector<16xi32> -> vector<16xf32>
    %get3A_227 = arith.constant 0 : index
    %get3A_228 = tpu.vector_load %arg12[%get3A_227] {strides = array<i32>} : memref<16xf32, #tpu.memory_space<vmem>>, vector<16xf32>,
    %get3A_229 = vector.shape_cast %get3A_228 : vector<16xf32> to vector<16xf32>
    %broadcast_in_dim3A_230 = arith.constant 15 : i32
    %broadcast_in_dim3A_231 = vector.broadcast %broadcast_in_dim3A_230 : i32 to vector<16xi32>
    %broadcast_in_dim3A_232 = vector.shape_cast %broadcast_in_dim3A_231 : vector<16xi32> to vector<16x1xi32>
    %gather3A_233 = vector.shape_cast %broadcast_in_dim3A_232 : vector<16x1xi32> to vector<16xi32>
    %gather3A_234 = tpu.dynamic_gather %get3A_229[%gather3A_233] in [0] : vector<16xf32>, vector<16xi32> -> vector<16xf32>
    %and3A = arith.constant 15 : i32
    %and3A_235 = vector.broadcast %and3A : i32 to vector<16xi32>
    %and3A_236 = arith.andi %broadcast_in_dim3A, %and3A_235 : vector<16xi32>
    %lt3A = arith.constant 16 : i32
    %lt3A_237 = vector.broadcast %lt3A : i32 to vector<16xi32>
    %lt3A_238 = arith.cmpi slt, %broadcast_in_dim3A, %lt3A_237 : vector<16xi32>
    %get3A_239 = arith.constant 0 : index
    %get3A_240 = tpu.vector_load %arg23[%get3A_239] {strides = array<i32>} : memref<32xi32, #tpu.memory_space<vmem>>, vector<16xi32>,
    %get3A_241 = vector.shape_cast %get3A_240 : vector<16xi32> to vector<16xi32>
    %broadcast_in_dim3A_242 = vector.shape_cast %and3A_236 : vector<16xi32> to vector<16x1xi32>
    %gather3A_243 = vector.shape_cast %broadcast_in_dim3A_242 : vector<16x1xi32> to vector<16xi32>
    %gather3A_244 = tpu.dynamic_gather %get3A_241[%gather3A_243] in [0] : vector<16xi32>, vector<16xi32> -> vector<16xi32>
    %get3A_245 = arith.constant 16 : index
    %get3A_246 = tpu.vector_load %arg23[%get3A_245] {strides = array<i32>} : memref<32xi32, #tpu.memory_space<vmem>>, vector<16xi32>,
    %get3A_247 = vector.shape_cast %get3A_246 : vector<16xi32> to vector<16xi32>
    %broadcast_in_dim3A_248 = vector.shape_cast %and3A_236 : vector<16xi32> to vector<16x1xi32>
    %gather3A_249 = vector.shape_cast %broadcast_in_dim3A_248 : vector<16x1xi32> to vector<16xi32>
    %gather3A_250 = tpu.dynamic_gather %get3A_247[%gather3A_249] in [0] : vector<16xi32>, vector<16xi32> -> vector<16xi32>
    %select_n3A = arith.select %lt3A_238, %gather3A_244, %gather3A_250 : vector<16xi1>, vector<16xi32>
    %max3A = arith.maximumf %gather3A_178, %gather3A_186 : vector<16xf32>
    %max3A_251 = arith.maximumf %max3A, %gather3A_194 : vector<16xf32>
    %max3A_252 = arith.maximumf %max3A_251, %gather3A_202 : vector<16xf32>
    %max3A_253 = arith.maximumf %max3A_252, %gather3A_210 : vector<16xf32>
    %max3A_254 = arith.maximumf %max3A_253, %gather3A_218 : vector<16xf32>
    %max3A_255 = arith.maximumf %max3A_254, %gather3A_226 : vector<16xf32>
    %max3A_256 = arith.maximumf %max3A_255, %gather3A_234 : vector<16xf32>
    %sub3A = arith.subf %gather3A_178, %max3A_256 : vector<16xf32>
    %exp3A = math.exp %sub3A : vector<16xf32>
    %sub3A_257 = arith.subf %gather3A_186, %max3A_256 : vector<16xf32>
    %exp3A_258 = math.exp %sub3A_257 : vector<16xf32>
    %add3A_259 = arith.addf %exp3A, %exp3A_258 : vector<16xf32>
    %sub3A_260 = arith.subf %gather3A_194, %max3A_256 : vector<16xf32>
    %exp3A_261 = math.exp %sub3A_260 : vector<16xf32>
    %add3A_262 = arith.addf %add3A_259, %exp3A_261 : vector<16xf32>
    %sub3A_263 = arith.subf %gather3A_202, %max3A_256 : vector<16xf32>
    %exp3A_264 = math.exp %sub3A_263 : vector<16xf32>
    %add3A_265 = arith.addf %add3A_262, %exp3A_264 : vector<16xf32>
    %sub3A_266 = arith.subf %gather3A_210, %max3A_256 : vector<16xf32>
    %exp3A_267 = math.exp %sub3A_266 : vector<16xf32>
    %add3A_268 = arith.addf %add3A_265, %exp3A_267 : vector<16xf32>
    %sub3A_269 = arith.subf %gather3A_218, %max3A_256 : vector<16xf32>
    %exp3A_270 = math.exp %sub3A_269 : vector<16xf32>
    %add3A_271 = arith.addf %add3A_268, %exp3A_270 : vector<16xf32>
    %sub3A_272 = arith.subf %gather3A_226, %max3A_256 : vector<16xf32>
    %exp3A_273 = math.exp %sub3A_272 : vector<16xf32>
    %add3A_274 = arith.addf %add3A_271, %exp3A_273 : vector<16xf32>
    %sub3A_275 = arith.subf %gather3A_234, %max3A_256 : vector<16xf32>
    %exp3A_276 = math.exp %sub3A_275 : vector<16xf32>
    %add3A_277 = arith.addf %add3A_274, %exp3A_276 : vector<16xf32>
    %bitcast_convert_type3A = tpu.bitcast %add3A_277 : vector<16xf32> -> vector<16xi32>
    %shift_right_arithmetic3A = arith.constant 23 : i32
    %shift_right_arithmetic3A_278 = vector.broadcast %shift_right_arithmetic3A : i32 to vector<16xi32>
    %shift_right_arithmetic3A_279 = arith.shrsi %bitcast_convert_type3A, %shift_right_arithmetic3A_278 : vector<16xi32>
    %sub3A_280 = arith.constant 127 : i32
    %sub3A_281 = vector.broadcast %sub3A_280 : i32 to vector<16xi32>
    %sub3A_282 = arith.subi %shift_right_arithmetic3A_279, %sub3A_281 : vector<16xi32>
    %convert_element_type3A = arith.sitofp %sub3A_282 : vector<16xi32> to vector<16xf32>
    %and3A_283 = arith.constant 8388607 : i32
    %and3A_284 = vector.broadcast %and3A_283 : i32 to vector<16xi32>
    %and3A_285 = arith.andi %bitcast_convert_type3A, %and3A_284 : vector<16xi32>
    %or3A = arith.constant 1065353216 : i32
    %or3A_286 = vector.broadcast %or3A : i32 to vector<16xi32>
    %or3A_287 = arith.ori %and3A_285, %or3A_286 : vector<16xi32>
    %bitcast_convert_type3A_288 = tpu.bitcast %or3A_287 : vector<16xi32> -> vector<16xf32>
    %sub3A_289 = arith.constant 1.000000e+00 : f32
    %sub3A_290 = vector.broadcast %sub3A_289 : f32 to vector<16xf32>
    %sub3A_291 = arith.subf %bitcast_convert_type3A_288, %sub3A_290 : vector<16xf32>
    %add3A_292 = arith.constant 1.000000e+00 : f32
    %add3A_293 = vector.broadcast %add3A_292 : f32 to vector<16xf32>
    %add3A_294 = arith.addf %bitcast_convert_type3A_288, %add3A_293 : vector<16xf32>
    %div3A = arith.divf %sub3A_291, %add3A_294 : vector<16xf32>
    %mul3A_295 = arith.mulf %div3A, %div3A : vector<16xf32>
    %mul3A_296 = arith.constant 2.000000e+00 : f32
    %mul3A_297 = vector.broadcast %mul3A_296 : f32 to vector<16xf32>
    %mul3A_298 = arith.mulf %mul3A_297, %div3A : vector<16xf32>
    %mul3A_299 = arith.constant 0.111111112 : f32
    %mul3A_300 = vector.broadcast %mul3A_299 : f32 to vector<16xf32>
    %mul3A_301 = arith.mulf %mul3A_300, %mul3A_295 : vector<16xf32>
    %add3A_302 = arith.constant 0.142857149 : f32
    %add3A_303 = vector.broadcast %add3A_302 : f32 to vector<16xf32>
    %add3A_304 = arith.addf %mul3A_301, %add3A_303 : vector<16xf32>
    %mul3A_305 = arith.mulf %mul3A_295, %add3A_304 : vector<16xf32>
    %add3A_306 = arith.constant 2.000000e-01 : f32
    %add3A_307 = vector.broadcast %add3A_306 : f32 to vector<16xf32>
    %add3A_308 = arith.addf %add3A_307, %mul3A_305 : vector<16xf32>
    %mul3A_309 = arith.mulf %mul3A_295, %add3A_308 : vector<16xf32>
    %add3A_310 = arith.constant 0.333333343 : f32
    %add3A_311 = vector.broadcast %add3A_310 : f32 to vector<16xf32>
    %add3A_312 = arith.addf %add3A_311, %mul3A_309 : vector<16xf32>
    %mul3A_313 = arith.mulf %mul3A_295, %add3A_312 : vector<16xf32>
    %add3A_314 = arith.constant 1.000000e+00 : f32
    %add3A_315 = vector.broadcast %add3A_314 : f32 to vector<16xf32>
    %add3A_316 = arith.addf %add3A_315, %mul3A_313 : vector<16xf32>
    %mul3A_317 = arith.mulf %mul3A_298, %add3A_316 : vector<16xf32>
    %mul3A_318 = arith.constant 0.693147182 : f32
    %mul3A_319 = vector.broadcast %mul3A_318 : f32 to vector<16xf32>
    %mul3A_320 = arith.mulf %convert_element_type3A, %mul3A_319 : vector<16xf32>
    %add3A_321 = arith.addf %max3A_256, %mul3A_320 : vector<16xf32>
    %add3A_322 = arith.addf %add3A_321, %mul3A_317 : vector<16xf32>
    %eq3A = arith.constant 1 : i32
    %eq3A_323 = vector.broadcast %eq3A : i32 to vector<16xi32>
    %eq3A_324 = arith.cmpi eq, %select_n3A, %eq3A_323 : vector<16xi32>
    %select_n3A_325 = arith.select %eq3A_324, %gather3A_186, %gather3A_178 : vector<16xi1>, vector<16xf32>
    %eq3A_326 = arith.constant 2 : i32
    %eq3A_327 = vector.broadcast %eq3A_326 : i32 to vector<16xi32>
    %eq3A_328 = arith.cmpi eq, %select_n3A, %eq3A_327 : vector<16xi32>
    %select_n3A_329 = arith.select %eq3A_328, %gather3A_194, %select_n3A_325 : vector<16xi1>, vector<16xf32>
    %eq3A_330 = arith.constant 3 : i32
    %eq3A_331 = vector.broadcast %eq3A_330 : i32 to vector<16xi32>
    %eq3A_332 = arith.cmpi eq, %select_n3A, %eq3A_331 : vector<16xi32>
    %select_n3A_333 = arith.select %eq3A_332, %gather3A_202, %select_n3A_329 : vector<16xi1>, vector<16xf32>
    %eq3A_334 = arith.constant 4 : i32
    %eq3A_335 = vector.broadcast %eq3A_334 : i32 to vector<16xi32>
    %eq3A_336 = arith.cmpi eq, %select_n3A, %eq3A_335 : vector<16xi32>
    %select_n3A_337 = arith.select %eq3A_336, %gather3A_210, %select_n3A_333 : vector<16xi1>, vector<16xf32>
    %eq3A_338 = arith.constant 5 : i32
    %eq3A_339 = vector.broadcast %eq3A_338 : i32 to vector<16xi32>
    %eq3A_340 = arith.cmpi eq, %select_n3A, %eq3A_339 : vector<16xi32>
    %select_n3A_341 = arith.select %eq3A_340, %gather3A_218, %select_n3A_337 : vector<16xi1>, vector<16xf32>
    %eq3A_342 = arith.constant 6 : i32
    %eq3A_343 = vector.broadcast %eq3A_342 : i32 to vector<16xi32>
    %eq3A_344 = arith.cmpi eq, %select_n3A, %eq3A_343 : vector<16xi32>
    %select_n3A_345 = arith.select %eq3A_344, %gather3A_226, %select_n3A_341 : vector<16xi1>, vector<16xf32>
    %eq3A_346 = arith.constant 7 : i32
    %eq3A_347 = vector.broadcast %eq3A_346 : i32 to vector<16xi32>
    %eq3A_348 = arith.cmpi eq, %select_n3A, %eq3A_347 : vector<16xi32>
    %select_n3A_349 = arith.select %eq3A_348, %gather3A_234, %select_n3A_345 : vector<16xi1>, vector<16xf32>
    %sub3A_350 = arith.subf %add3A_322, %select_n3A_349 : vector<16xf32>
    %swap3A = arith.constant 0 : index
    %swap3A_351 = tpu.vector_load %arg21[%swap3A] {strides = array<i32>} : memref<16xf32, #tpu.memory_space<vmem>>, vector<16xf32>,
    %swap3A_352 = vector.shape_cast %swap3A_351 : vector<16xf32> to vector<16xf32>
    %swap3A_353 = vector.shape_cast %sub3A_350 : vector<16xf32> to vector<16xf32>
    tpu.vector_store %arg21[%swap3A], %swap3A_353 {strides = array<i32>} : memref<16xf32, #tpu.memory_space<vmem>>, vector<16xf32>,
    %dma_start3A_354 = arith.constant 0 : i32
    %dma_start3A_355 = tpu.memref_slice %arg4[%add3A_117, %dma_start3A_354] : memref<32x16xf32, #tpu.memory_space<hbm>> -> memref<1x16xf32, #tpu.memory_space<hbm>>
    %dma_start3A_356 = tpu.memref_squeeze %dma_start3A_355 : memref<1x16xf32, #tpu.memory_space<hbm>> -> memref<16xf32, #tpu.memory_space<hbm>>
    %dma_start3A_357 = arith.constant 0 : i32
    %dma_start3A_358 = tpu.memref_slice %arg4[%add3A_117, %dma_start3A_357] : memref<32x16xf32, #tpu.memory_space<hbm>> -> memref<1x16xf32, #tpu.memory_space<hbm>>
    %dma_start3A_359 = tpu.memref_squeeze %dma_start3A_358 : memref<1x16xf32, #tpu.memory_space<hbm>> -> memref<16xf32, #tpu.memory_space<hbm>>
    tpu.enqueue_dma source(%arg21 : memref<16xf32, #tpu.memory_space<vmem>>) target(%dma_start3A_359 : memref<16xf32, #tpu.memory_space<hbm>>) target_semaphore(%arg26 : memref<!tpu.dma_semaphore, #tpu.memory_space<semaphore_mem>>)
    %add3A_360 = arith.constant 16 : i32
    %add3A_361 = arith.addi %add3A, %add3A_360 : i32
    %broadcast_in_dim3A_362 = vector.broadcast %add3A_361 : i32 to vector<16xi32>
    %dma_wait3A_363 = arith.constant 7 : i32
    %dma_wait3A_364 = arith.constant 0 : i32
    %dma_wait3A_365 = tpu.memref_slice %arg2[%add3A_59, %dma_wait3A_363, %dma_wait3A_364] : memref<32x8x100000xf32, #tpu.memory_space<hbm>> -> memref<1x1x16xf32, #tpu.memory_space<hbm>>
    %dma_wait3A_366 = tpu.memref_squeeze %dma_wait3A_365 : memref<1x1x16xf32, #tpu.memory_space<hbm>> -> memref<16xf32, #tpu.memory_space<hbm>>
    %dma_wait3A_367 = arith.constant 0 : i32
    %dma_wait3A_368 = tpu.memref_slice %arg2[%add3A_59, %dma_wait3A_363, %dma_wait3A_367] : memref<32x8x100000xf32, #tpu.memory_space<hbm>> -> memref<1x1x16xf32, #tpu.memory_space<hbm>>
    %dma_wait3A_369 = tpu.memref_squeeze %dma_wait3A_368 : memref<1x1x16xf32, #tpu.memory_space<hbm>> -> memref<16xf32, #tpu.memory_space<hbm>>
    tpu.wait_dma2 semaphore(%arg24 : memref<!tpu.dma_semaphore, #tpu.memory_space<semaphore_mem>>) src(%dma_wait3A_369 : memref<16xf32, #tpu.memory_space<hbm>>) dst(%arg13 : memref<16xf32, #tpu.memory_space<vmem>>)
    %dma_wait3A_370 = arith.constant 7 : i32
    %dma_wait3A_371 = arith.constant 256 : i32
    %dma_wait3A_372 = tpu.memref_slice %arg2[%add3A_59, %dma_wait3A_370, %dma_wait3A_371] : memref<32x8x100000xf32, #tpu.memory_space<hbm>> -> memref<1x1x16xf32, #tpu.memory_space<hbm>>
    %dma_wait3A_373 = tpu.memref_squeeze %dma_wait3A_372 : memref<1x1x16xf32, #tpu.memory_space<hbm>> -> memref<16xf32, #tpu.memory_space<hbm>>
    %dma_wait3A_374 = arith.constant 256 : i32
    %dma_wait3A_375 = tpu.memref_slice %arg2[%add3A_59, %dma_wait3A_370, %dma_wait3A_374] : memref<32x8x100000xf32, #tpu.memory_space<hbm>> -> memref<1x1x16xf32, #tpu.memory_space<hbm>>
    %dma_wait3A_376 = tpu.memref_squeeze %dma_wait3A_375 : memref<1x1x16xf32, #tpu.memory_space<hbm>> -> memref<16xf32, #tpu.memory_space<hbm>>
    tpu.wait_dma2 semaphore(%arg24 : memref<!tpu.dma_semaphore, #tpu.memory_space<semaphore_mem>>) src(%dma_wait3A_376 : memref<16xf32, #tpu.memory_space<hbm>>) dst(%arg14 : memref<16xf32, #tpu.memory_space<vmem>>)
    %dma_wait3A_377 = arith.constant 7 : i32
    %dma_wait3A_378 = arith.constant 1024 : i32
    %dma_wait3A_379 = tpu.memref_slice %arg2[%add3A_59, %dma_wait3A_377, %dma_wait3A_378] : memref<32x8x100000xf32, #tpu.memory_space<hbm>> -> memref<1x1x16xf32, #tpu.memory_space<hbm>>
    %dma_wait3A_380 = tpu.memref_squeeze %dma_wait3A_379 : memref<1x1x16xf32, #tpu.memory_space<hbm>> -> memref<16xf32, #tpu.memory_space<hbm>>
    %dma_wait3A_381 = arith.constant 1024 : i32
    %dma_wait3A_382 = tpu.memref_slice %arg2[%add3A_59, %dma_wait3A_377, %dma_wait3A_381] : memref<32x8x100000xf32, #tpu.memory_space<hbm>> -> memref<1x1x16xf32, #tpu.memory_space<hbm>>
    %dma_wait3A_383 = tpu.memref_squeeze %dma_wait3A_382 : memref<1x1x16xf32, #tpu.memory_space<hbm>> -> memref<16xf32, #tpu.memory_space<hbm>>
    tpu.wait_dma2 semaphore(%arg24 : memref<!tpu.dma_semaphore, #tpu.memory_space<semaphore_mem>>) src(%dma_wait3A_383 : memref<16xf32, #tpu.memory_space<hbm>>) dst(%arg15 : memref<16xf32, #tpu.memory_space<vmem>>)
    %dma_wait3A_384 = arith.constant 7 : i32
    %dma_wait3A_385 = arith.constant 4096 : i32
    %dma_wait3A_386 = tpu.memref_slice %arg2[%add3A_59, %dma_wait3A_384, %dma_wait3A_385] : memref<32x8x100000xf32, #tpu.memory_space<hbm>> -> memref<1x1x16xf32, #tpu.memory_space<hbm>>
    %dma_wait3A_387 = tpu.memref_squeeze %dma_wait3A_386 : memref<1x1x16xf32, #tpu.memory_space<hbm>> -> memref<16xf32, #tpu.memory_space<hbm>>
    %dma_wait3A_388 = arith.constant 4096 : i32
    %dma_wait3A_389 = tpu.memref_slice %arg2[%add3A_59, %dma_wait3A_384, %dma_wait3A_388] : memref<32x8x100000xf32, #tpu.memory_space<hbm>> -> memref<1x1x16xf32, #tpu.memory_space<hbm>>
    %dma_wait3A_390 = tpu.memref_squeeze %dma_wait3A_389 : memref<1x1x16xf32, #tpu.memory_space<hbm>> -> memref<16xf32, #tpu.memory_space<hbm>>
    tpu.wait_dma2 semaphore(%arg24 : memref<!tpu.dma_semaphore, #tpu.memory_space<semaphore_mem>>) src(%dma_wait3A_390 : memref<16xf32, #tpu.memory_space<hbm>>) dst(%arg16 : memref<16xf32, #tpu.memory_space<vmem>>)
    %dma_wait3A_391 = arith.constant 7 : i32
    %dma_wait3A_392 = arith.constant 9984 : i32
    %dma_wait3A_393 = tpu.memref_slice %arg2[%add3A_59, %dma_wait3A_391, %dma_wait3A_392] : memref<32x8x100000xf32, #tpu.memory_space<hbm>> -> memref<1x1x16xf32, #tpu.memory_space<hbm>>
    %dma_wait3A_394 = tpu.memref_squeeze %dma_wait3A_393 : memref<1x1x16xf32, #tpu.memory_space<hbm>> -> memref<16xf32, #tpu.memory_space<hbm>>
    %dma_wait3A_395 = arith.constant 9984 : i32
    %dma_wait3A_396 = tpu.memref_slice %arg2[%add3A_59, %dma_wait3A_391, %dma_wait3A_395] : memref<32x8x100000xf32, #tpu.memory_space<hbm>> -> memref<1x1x16xf32, #tpu.memory_space<hbm>>
    %dma_wait3A_397 = tpu.memref_squeeze %dma_wait3A_396 : memref<1x1x16xf32, #tpu.memory_space<hbm>> -> memref<16xf32, #tpu.memory_space<hbm>>
    tpu.wait_dma2 semaphore(%arg24 : memref<!tpu.dma_semaphore, #tpu.memory_space<semaphore_mem>>) src(%dma_wait3A_397 : memref<16xf32, #tpu.memory_space<hbm>>) dst(%arg17 : memref<16xf32, #tpu.memory_space<vmem>>)
    %dma_wait3A_398 = arith.constant 7 : i32
    %dma_wait3A_399 = arith.constant 20000 : i32
    %dma_wait3A_400 = tpu.memref_slice %arg2[%add3A_59, %dma_wait3A_398, %dma_wait3A_399] : memref<32x8x100000xf32, #tpu.memory_space<hbm>> -> memref<1x1x16xf32, #tpu.memory_space<hbm>>
    %dma_wait3A_401 = tpu.memref_squeeze %dma_wait3A_400 : memref<1x1x16xf32, #tpu.memory_space<hbm>> -> memref<16xf32, #tpu.memory_space<hbm>>
    %dma_wait3A_402 = arith.constant 20000 : i32
    %dma_wait3A_403 = tpu.memref_slice %arg2[%add3A_59, %dma_wait3A_398, %dma_wait3A_402] : memref<32x8x100000xf32, #tpu.memory_space<hbm>> -> memref<1x1x16xf32, #tpu.memory_space<hbm>>
    %dma_wait3A_404 = tpu.memref_squeeze %dma_wait3A_403 : memref<1x1x16xf32, #tpu.memory_space<hbm>> -> memref<16xf32, #tpu.memory_space<hbm>>
    tpu.wait_dma2 semaphore(%arg24 : memref<!tpu.dma_semaphore, #tpu.memory_space<semaphore_mem>>) src(%dma_wait3A_404 : memref<16xf32, #tpu.memory_space<hbm>>) dst(%arg18 : memref<16xf32, #tpu.memory_space<vmem>>)
    %dma_wait3A_405 = arith.constant 7 : i32
    %dma_wait3A_406 = arith.constant 50000 : i32
    %dma_wait3A_407 = tpu.memref_slice %arg2[%add3A_59, %dma_wait3A_405, %dma_wait3A_406] : memref<32x8x100000xf32, #tpu.memory_space<hbm>> -> memref<1x1x16xf32, #tpu.memory_space<hbm>>
    %dma_wait3A_408 = tpu.memref_squeeze %dma_wait3A_407 : memref<1x1x16xf32, #tpu.memory_space<hbm>> -> memref<16xf32, #tpu.memory_space<hbm>>
    %dma_wait3A_409 = arith.constant 50000 : i32
    %dma_wait3A_410 = tpu.memref_slice %arg2[%add3A_59, %dma_wait3A_405, %dma_wait3A_409] : memref<32x8x100000xf32, #tpu.memory_space<hbm>> -> memref<1x1x16xf32, #tpu.memory_space<hbm>>
    %dma_wait3A_411 = tpu.memref_squeeze %dma_wait3A_410 : memref<1x1x16xf32, #tpu.memory_space<hbm>> -> memref<16xf32, #tpu.memory_space<hbm>>
    tpu.wait_dma2 semaphore(%arg24 : memref<!tpu.dma_semaphore, #tpu.memory_space<semaphore_mem>>) src(%dma_wait3A_411 : memref<16xf32, #tpu.memory_space<hbm>>) dst(%arg19 : memref<16xf32, #tpu.memory_space<vmem>>)
    %dma_wait3A_412 = arith.constant 7 : i32
    %dma_wait3A_413 = arith.constant 99984 : i32
    %dma_wait3A_414 = tpu.memref_slice %arg2[%add3A_59, %dma_wait3A_412, %dma_wait3A_413] : memref<32x8x100000xf32, #tpu.memory_space<hbm>> -> memref<1x1x16xf32, #tpu.memory_space<hbm>>
    %dma_wait3A_415 = tpu.memref_squeeze %dma_wait3A_414 : memref<1x1x16xf32, #tpu.memory_space<hbm>> -> memref<16xf32, #tpu.memory_space<hbm>>
    %dma_wait3A_416 = arith.constant 99984 : i32
    %dma_wait3A_417 = tpu.memref_slice %arg2[%add3A_59, %dma_wait3A_412, %dma_wait3A_416] : memref<32x8x100000xf32, #tpu.memory_space<hbm>> -> memref<1x1x16xf32, #tpu.memory_space<hbm>>
    %dma_wait3A_418 = tpu.memref_squeeze %dma_wait3A_417 : memref<1x1x16xf32, #tpu.memory_space<hbm>> -> memref<16xf32, #tpu.memory_space<hbm>>
    tpu.wait_dma2 semaphore(%arg24 : memref<!tpu.dma_semaphore, #tpu.memory_space<semaphore_mem>>) src(%dma_wait3A_418 : memref<16xf32, #tpu.memory_space<hbm>>) dst(%arg20 : memref<16xf32, #tpu.memory_space<vmem>>)
    %get3A_419 = arith.constant 0 : index
    %get3A_420 = tpu.vector_load %arg13[%get3A_419] {strides = array<i32>} : memref<16xf32, #tpu.memory_space<vmem>>, vector<16xf32>,
    %get3A_421 = vector.shape_cast %get3A_420 : vector<16xf32> to vector<16xf32>
    %broadcast_in_dim3A_422 = arith.constant 11 : i32
    %broadcast_in_dim3A_423 = vector.broadcast %broadcast_in_dim3A_422 : i32 to vector<16xi32>
    %broadcast_in_dim3A_424 = vector.shape_cast %broadcast_in_dim3A_423 : vector<16xi32> to vector<16x1xi32>
    %gather3A_425 = vector.shape_cast %broadcast_in_dim3A_424 : vector<16x1xi32> to vector<16xi32>
    %gather3A_426 = tpu.dynamic_gather %get3A_421[%gather3A_425] in [0] : vector<16xf32>, vector<16xi32> -> vector<16xf32>
    %get3A_427 = arith.constant 0 : index
    %get3A_428 = tpu.vector_load %arg14[%get3A_427] {strides = array<i32>} : memref<16xf32, #tpu.memory_space<vmem>>, vector<16xf32>,
    %get3A_429 = vector.shape_cast %get3A_428 : vector<16xf32> to vector<16xf32>
    %broadcast_in_dim3A_430 = arith.constant 1 : i32
    %broadcast_in_dim3A_431 = vector.broadcast %broadcast_in_dim3A_430 : i32 to vector<16xi32>
    %broadcast_in_dim3A_432 = vector.shape_cast %broadcast_in_dim3A_431 : vector<16xi32> to vector<16x1xi32>
    %gather3A_433 = vector.shape_cast %broadcast_in_dim3A_432 : vector<16x1xi32> to vector<16xi32>
    %gather3A_434 = tpu.dynamic_gather %get3A_429[%gather3A_433] in [0] : vector<16xf32>, vector<16xi32> -> vector<16xf32>
    %get3A_435 = arith.constant 0 : index
    %get3A_436 = tpu.vector_load %arg15[%get3A_435] {strides = array<i32>} : memref<16xf32, #tpu.memory_space<vmem>>, vector<16xf32>,
    %get3A_437 = vector.shape_cast %get3A_436 : vector<16xf32> to vector<16xf32>
    %broadcast_in_dim3A_438 = arith.constant 0 : i32
    %broadcast_in_dim3A_439 = vector.broadcast %broadcast_in_dim3A_438 : i32 to vector<16xi32>
    %broadcast_in_dim3A_440 = vector.shape_cast %broadcast_in_dim3A_439 : vector<16xi32> to vector<16x1xi32>
    %gather3A_441 = vector.shape_cast %broadcast_in_dim3A_440 : vector<16x1xi32> to vector<16xi32>
    %gather3A_442 = tpu.dynamic_gather %get3A_437[%gather3A_441] in [0] : vector<16xf32>, vector<16xi32> -> vector<16xf32>
    %get3A_443 = arith.constant 0 : index
    %get3A_444 = tpu.vector_load %arg16[%get3A_443] {strides = array<i32>} : memref<16xf32, #tpu.memory_space<vmem>>, vector<16xf32>,
    %get3A_445 = vector.shape_cast %get3A_444 : vector<16xf32> to vector<16xf32>
    %broadcast_in_dim3A_446 = arith.constant 0 : i32
    %broadcast_in_dim3A_447 = vector.broadcast %broadcast_in_dim3A_446 : i32 to vector<16xi32>
    %broadcast_in_dim3A_448 = vector.shape_cast %broadcast_in_dim3A_447 : vector<16xi32> to vector<16x1xi32>
    %gather3A_449 = vector.shape_cast %broadcast_in_dim3A_448 : vector<16x1xi32> to vector<16xi32>
    %gather3A_450 = tpu.dynamic_gather %get3A_445[%gather3A_449] in [0] : vector<16xf32>, vector<16xi32> -> vector<16xf32>
    %get3A_451 = arith.constant 0 : index
    %get3A_452 = tpu.vector_load %arg17[%get3A_451] {strides = array<i32>} : memref<16xf32, #tpu.memory_space<vmem>>, vector<16xf32>,
    %get3A_453 = vector.shape_cast %get3A_452 : vector<16xf32> to vector<16xf32>
    %broadcast_in_dim3A_454 = arith.constant 15 : i32
    %broadcast_in_dim3A_455 = vector.broadcast %broadcast_in_dim3A_454 : i32 to vector<16xi32>
    %broadcast_in_dim3A_456 = vector.shape_cast %broadcast_in_dim3A_455 : vector<16xi32> to vector<16x1xi32>
    %gather3A_457 = vector.shape_cast %broadcast_in_dim3A_456 : vector<16x1xi32> to vector<16xi32>
    %gather3A_458 = tpu.dynamic_gather %get3A_453[%gather3A_457] in [0] : vector<16xf32>, vector<16xi32> -> vector<16xf32>
    %get3A_459 = arith.constant 0 : index
    %get3A_460 = tpu.vector_load %arg18[%get3A_459] {strides = array<i32>} : memref<16xf32, #tpu.memory_space<vmem>>, vector<16xf32>,
    %get3A_461 = vector.shape_cast %get3A_460 : vector<16xf32> to vector<16xf32>
    %broadcast_in_dim3A_462 = arith.constant 0 : i32
    %broadcast_in_dim3A_463 = vector.broadcast %broadcast_in_dim3A_462 : i32 to vector<16xi32>
    %broadcast_in_dim3A_464 = vector.shape_cast %broadcast_in_dim3A_463 : vector<16xi32> to vector<16x1xi32>
    %gather3A_465 = vector.shape_cast %broadcast_in_dim3A_464 : vector<16x1xi32> to vector<16xi32>
    %gather3A_466 = tpu.dynamic_gather %get3A_461[%gather3A_465] in [0] : vector<16xf32>, vector<16xi32> -> vector<16xf32>
    %get3A_467 = arith.constant 0 : index
    %get3A_468 = tpu.vector_load %arg19[%get3A_467] {strides = array<i32>} : memref<16xf32, #tpu.memory_space<vmem>>, vector<16xf32>,
    %get3A_469 = vector.shape_cast %get3A_468 : vector<16xf32> to vector<16xf32>
    %broadcast_in_dim3A_470 = arith.constant 0 : i32
    %broadcast_in_dim3A_471 = vector.broadcast %broadcast_in_dim3A_470 : i32 to vector<16xi32>
    %broadcast_in_dim3A_472 = vector.shape_cast %broadcast_in_dim3A_471 : vector<16xi32> to vector<16x1xi32>
    %gather3A_473 = vector.shape_cast %broadcast_in_dim3A_472 : vector<16x1xi32> to vector<16xi32>
    %gather3A_474 = tpu.dynamic_gather %get3A_469[%gather3A_473] in [0] : vector<16xf32>, vector<16xi32> -> vector<16xf32>
    %get3A_475 = arith.constant 0 : index
    %get3A_476 = tpu.vector_load %arg20[%get3A_475] {strides = array<i32>} : memref<16xf32, #tpu.memory_space<vmem>>, vector<16xf32>,
    %get3A_477 = vector.shape_cast %get3A_476 : vector<16xf32> to vector<16xf32>
    %broadcast_in_dim3A_478 = arith.constant 15 : i32
    %broadcast_in_dim3A_479 = vector.broadcast %broadcast_in_dim3A_478 : i32 to vector<16xi32>
    %broadcast_in_dim3A_480 = vector.shape_cast %broadcast_in_dim3A_479 : vector<16xi32> to vector<16x1xi32>
    %gather3A_481 = vector.shape_cast %broadcast_in_dim3A_480 : vector<16x1xi32> to vector<16xi32>
    %gather3A_482 = tpu.dynamic_gather %get3A_477[%gather3A_481] in [0] : vector<16xf32>, vector<16xi32> -> vector<16xf32>
    %and3A_483 = arith.constant 15 : i32
    %and3A_484 = vector.broadcast %and3A_483 : i32 to vector<16xi32>
    %and3A_485 = arith.andi %broadcast_in_dim3A_362, %and3A_484 : vector<16xi32>
    %lt3A_486 = arith.constant 16 : i32
    %lt3A_487 = vector.broadcast %lt3A_486 : i32 to vector<16xi32>
    %lt3A_488 = arith.cmpi slt, %broadcast_in_dim3A_362, %lt3A_487 : vector<16xi32>
    %get3A_489 = arith.constant 0 : index
    %get3A_490 = tpu.vector_load %arg23[%get3A_489] {strides = array<i32>} : memref<32xi32, #tpu.memory_space<vmem>>, vector<16xi32>,
    %get3A_491 = vector.shape_cast %get3A_490 : vector<16xi32> to vector<16xi32>
    %broadcast_in_dim3A_492 = vector.shape_cast %and3A_485 : vector<16xi32> to vector<16x1xi32>
    %gather3A_493 = vector.shape_cast %broadcast_in_dim3A_492 : vector<16x1xi32> to vector<16xi32>
    %gather3A_494 = tpu.dynamic_gather %get3A_491[%gather3A_493] in [0] : vector<16xi32>, vector<16xi32> -> vector<16xi32>
    %get3A_495 = arith.constant 16 : index
    %get3A_496 = tpu.vector_load %arg23[%get3A_495] {strides = array<i32>} : memref<32xi32, #tpu.memory_space<vmem>>, vector<16xi32>,
    %get3A_497 = vector.shape_cast %get3A_496 : vector<16xi32> to vector<16xi32>
    %broadcast_in_dim3A_498 = vector.shape_cast %and3A_485 : vector<16xi32> to vector<16x1xi32>
    %gather3A_499 = vector.shape_cast %broadcast_in_dim3A_498 : vector<16x1xi32> to vector<16xi32>
    %gather3A_500 = tpu.dynamic_gather %get3A_497[%gather3A_499] in [0] : vector<16xi32>, vector<16xi32> -> vector<16xi32>
    %select_n3A_501 = arith.select %lt3A_488, %gather3A_494, %gather3A_500 : vector<16xi1>, vector<16xi32>
    %max3A_502 = arith.maximumf %gather3A_426, %gather3A_434 : vector<16xf32>
    %max3A_503 = arith.maximumf %max3A_502, %gather3A_442 : vector<16xf32>
    %max3A_504 = arith.maximumf %max3A_503, %gather3A_450 : vector<16xf32>
    %max3A_505 = arith.maximumf %max3A_504, %gather3A_458 : vector<16xf32>
    %max3A_506 = arith.maximumf %max3A_505, %gather3A_466 : vector<16xf32>
    %max3A_507 = arith.maximumf %max3A_506, %gather3A_474 : vector<16xf32>
    %max3A_508 = arith.maximumf %max3A_507, %gather3A_482 : vector<16xf32>
    %sub3A_509 = arith.subf %gather3A_426, %max3A_508 : vector<16xf32>
    %exp3A_510 = math.exp %sub3A_509 : vector<16xf32>
    %sub3A_511 = arith.subf %gather3A_434, %max3A_508 : vector<16xf32>
    %exp3A_512 = math.exp %sub3A_511 : vector<16xf32>
    %add3A_513 = arith.addf %exp3A_510, %exp3A_512 : vector<16xf32>
    %sub3A_514 = arith.subf %gather3A_442, %max3A_508 : vector<16xf32>
    %exp3A_515 = math.exp %sub3A_514 : vector<16xf32>
    %add3A_516 = arith.addf %add3A_513, %exp3A_515 : vector<16xf32>
    %sub3A_517 = arith.subf %gather3A_450, %max3A_508 : vector<16xf32>
    %exp3A_518 = math.exp %sub3A_517 : vector<16xf32>
    %add3A_519 = arith.addf %add3A_516, %exp3A_518 : vector<16xf32>
    %sub3A_520 = arith.subf %gather3A_458, %max3A_508 : vector<16xf32>
    %exp3A_521 = math.exp %sub3A_520 : vector<16xf32>
    %add3A_522 = arith.addf %add3A_519, %exp3A_521 : vector<16xf32>
    %sub3A_523 = arith.subf %gather3A_466, %max3A_508 : vector<16xf32>
    %exp3A_524 = math.exp %sub3A_523 : vector<16xf32>
    %add3A_525 = arith.addf %add3A_522, %exp3A_524 : vector<16xf32>
    %sub3A_526 = arith.subf %gather3A_474, %max3A_508 : vector<16xf32>
    %exp3A_527 = math.exp %sub3A_526 : vector<16xf32>
    %add3A_528 = arith.addf %add3A_525, %exp3A_527 : vector<16xf32>
    %sub3A_529 = arith.subf %gather3A_482, %max3A_508 : vector<16xf32>
    %exp3A_530 = math.exp %sub3A_529 : vector<16xf32>
    %add3A_531 = arith.addf %add3A_528, %exp3A_530 : vector<16xf32>
    %bitcast_convert_type3A_532 = tpu.bitcast %add3A_531 : vector<16xf32> -> vector<16xi32>
    %shift_right_arithmetic3A_533 = arith.constant 23 : i32
    %shift_right_arithmetic3A_534 = vector.broadcast %shift_right_arithmetic3A_533 : i32 to vector<16xi32>
    %shift_right_arithmetic3A_535 = arith.shrsi %bitcast_convert_type3A_532, %shift_right_arithmetic3A_534 : vector<16xi32>
    %sub3A_536 = arith.constant 127 : i32
    %sub3A_537 = vector.broadcast %sub3A_536 : i32 to vector<16xi32>
    %sub3A_538 = arith.subi %shift_right_arithmetic3A_535, %sub3A_537 : vector<16xi32>
    %convert_element_type3A_539 = arith.sitofp %sub3A_538 : vector<16xi32> to vector<16xf32>
    %and3A_540 = arith.constant 8388607 : i32
    %and3A_541 = vector.broadcast %and3A_540 : i32 to vector<16xi32>
    %and3A_542 = arith.andi %bitcast_convert_type3A_532, %and3A_541 : vector<16xi32>
    %or3A_543 = arith.constant 1065353216 : i32
    %or3A_544 = vector.broadcast %or3A_543 : i32 to vector<16xi32>
    %or3A_545 = arith.ori %and3A_542, %or3A_544 : vector<16xi32>
    %bitcast_convert_type3A_546 = tpu.bitcast %or3A_545 : vector<16xi32> -> vector<16xf32>
    %sub3A_547 = arith.constant 1.000000e+00 : f32
    %sub3A_548 = vector.broadcast %sub3A_547 : f32 to vector<16xf32>
    %sub3A_549 = arith.subf %bitcast_convert_type3A_546, %sub3A_548 : vector<16xf32>
    %add3A_550 = arith.constant 1.000000e+00 : f32
    %add3A_551 = vector.broadcast %add3A_550 : f32 to vector<16xf32>
    %add3A_552 = arith.addf %bitcast_convert_type3A_546, %add3A_551 : vector<16xf32>
    %div3A_553 = arith.divf %sub3A_549, %add3A_552 : vector<16xf32>
    %mul3A_554 = arith.mulf %div3A_553, %div3A_553 : vector<16xf32>
    %mul3A_555 = arith.constant 2.000000e+00 : f32
    %mul3A_556 = vector.broadcast %mul3A_555 : f32 to vector<16xf32>
    %mul3A_557 = arith.mulf %mul3A_556, %div3A_553 : vector<16xf32>
    %mul3A_558 = arith.constant 0.111111112 : f32
    %mul3A_559 = vector.broadcast %mul3A_558 : f32 to vector<16xf32>
    %mul3A_560 = arith.mulf %mul3A_559, %mul3A_554 : vector<16xf32>
    %add3A_561 = arith.constant 0.142857149 : f32
    %add3A_562 = vector.broadcast %add3A_561 : f32 to vector<16xf32>
    %add3A_563 = arith.addf %mul3A_560, %add3A_562 : vector<16xf32>
    %mul3A_564 = arith.mulf %mul3A_554, %add3A_563 : vector<16xf32>
    %add3A_565 = arith.constant 2.000000e-01 : f32
    %add3A_566 = vector.broadcast %add3A_565 : f32 to vector<16xf32>
    %add3A_567 = arith.addf %add3A_566, %mul3A_564 : vector<16xf32>
    %mul3A_568 = arith.mulf %mul3A_554, %add3A_567 : vector<16xf32>
    %add3A_569 = arith.constant 0.333333343 : f32
    %add3A_570 = vector.broadcast %add3A_569 : f32 to vector<16xf32>
    %add3A_571 = arith.addf %add3A_570, %mul3A_568 : vector<16xf32>
    %mul3A_572 = arith.mulf %mul3A_554, %add3A_571 : vector<16xf32>
    %add3A_573 = arith.constant 1.000000e+00 : f32
    %add3A_574 = vector.broadcast %add3A_573 : f32 to vector<16xf32>
    %add3A_575 = arith.addf %add3A_574, %mul3A_572 : vector<16xf32>
    %mul3A_576 = arith.mulf %mul3A_557, %add3A_575 : vector<16xf32>
    %mul3A_577 = arith.constant 0.693147182 : f32
    %mul3A_578 = vector.broadcast %mul3A_577 : f32 to vector<16xf32>
    %mul3A_579 = arith.mulf %convert_element_type3A_539, %mul3A_578 : vector<16xf32>
    %add3A_580 = arith.addf %max3A_508, %mul3A_579 : vector<16xf32>
    %add3A_581 = arith.addf %add3A_580, %mul3A_576 : vector<16xf32>
    %eq3A_582 = arith.constant 1 : i32
    %eq3A_583 = vector.broadcast %eq3A_582 : i32 to vector<16xi32>
    %eq3A_584 = arith.cmpi eq, %select_n3A_501, %eq3A_583 : vector<16xi32>
    %select_n3A_585 = arith.select %eq3A_584, %gather3A_434, %gather3A_426 : vector<16xi1>, vector<16xf32>
    %eq3A_586 = arith.constant 2 : i32
    %eq3A_587 = vector.broadcast %eq3A_586 : i32 to vector<16xi32>
    %eq3A_588 = arith.cmpi eq, %select_n3A_501, %eq3A_587 : vector<16xi32>
    %select_n3A_589 = arith.select %eq3A_588, %gather3A_442, %select_n3A_585 : vector<16xi1>, vector<16xf32>
    %eq3A_590 = arith.constant 3 : i32
    %eq3A_591 = vector.broadcast %eq3A_590 : i32 to vector<16xi32>
    %eq3A_592 = arith.cmpi eq, %select_n3A_501, %eq3A_591 : vector<16xi32>
    %select_n3A_593 = arith.select %eq3A_592, %gather3A_450, %select_n3A_589 : vector<16xi1>, vector<16xf32>
    %eq3A_594 = arith.constant 4 : i32
    %eq3A_595 = vector.broadcast %eq3A_594 : i32 to vector<16xi32>
    %eq3A_596 = arith.cmpi eq, %select_n3A_501, %eq3A_595 : vector<16xi32>
    %select_n3A_597 = arith.select %eq3A_596, %gather3A_458, %select_n3A_593 : vector<16xi1>, vector<16xf32>
    %eq3A_598 = arith.constant 5 : i32
    %eq3A_599 = vector.broadcast %eq3A_598 : i32 to vector<16xi32>
    %eq3A_600 = arith.cmpi eq, %select_n3A_501, %eq3A_599 : vector<16xi32>
    %select_n3A_601 = arith.select %eq3A_600, %gather3A_466, %select_n3A_597 : vector<16xi1>, vector<16xf32>
    %eq3A_602 = arith.constant 6 : i32
    %eq3A_603 = vector.broadcast %eq3A_602 : i32 to vector<16xi32>
    %eq3A_604 = arith.cmpi eq, %select_n3A_501, %eq3A_603 : vector<16xi32>
    %select_n3A_605 = arith.select %eq3A_604, %gather3A_474, %select_n3A_601 : vector<16xi1>, vector<16xf32>
    %eq3A_606 = arith.constant 7 : i32
    %eq3A_607 = vector.broadcast %eq3A_606 : i32 to vector<16xi32>
    %eq3A_608 = arith.cmpi eq, %select_n3A_501, %eq3A_607 : vector<16xi32>
    %select_n3A_609 = arith.select %eq3A_608, %gather3A_482, %select_n3A_605 : vector<16xi1>, vector<16xf32>
    %sub3A_610 = arith.subf %add3A_581, %select_n3A_609 : vector<16xf32>
    %swap3A_611 = arith.constant 0 : index
    %swap3A_612 = tpu.vector_load %arg22[%swap3A_611] {strides = array<i32>} : memref<16xf32, #tpu.memory_space<vmem>>, vector<16xf32>,
    %swap3A_613 = vector.shape_cast %swap3A_612 : vector<16xf32> to vector<16xf32>
    %swap3A_614 = vector.shape_cast %sub3A_610 : vector<16xf32> to vector<16xf32>
    tpu.vector_store %arg22[%swap3A_611], %swap3A_614 {strides = array<i32>} : memref<16xf32, #tpu.memory_space<vmem>>, vector<16xf32>,
    %dma_start3A_615 = arith.constant 0 : i32
    %dma_start3A_616 = tpu.memref_slice %arg4[%add3A_361, %dma_start3A_615] : memref<32x16xf32, #tpu.memory_space<hbm>> -> memref<1x16xf32, #tpu.memory_space<hbm>>
    %dma_start3A_617 = tpu.memref_squeeze %dma_start3A_616 : memref<1x16xf32, #tpu.memory_space<hbm>> -> memref<16xf32, #tpu.memory_space<hbm>>
    %dma_start3A_618 = arith.constant 0 : i32
    %dma_start3A_619 = tpu.memref_slice %arg4[%add3A_361, %dma_start3A_618] : memref<32x16xf32, #tpu.memory_space<hbm>> -> memref<1x16xf32, #tpu.memory_space<hbm>>
    %dma_start3A_620 = tpu.memref_squeeze %dma_start3A_619 : memref<1x16xf32, #tpu.memory_space<hbm>> -> memref<16xf32, #tpu.memory_space<hbm>>
    tpu.enqueue_dma source(%arg22 : memref<16xf32, #tpu.memory_space<vmem>>) target(%dma_start3A_620 : memref<16xf32, #tpu.memory_space<hbm>>) target_semaphore(%arg26 : memref<!tpu.dma_semaphore, #tpu.memory_space<semaphore_mem>>)
    %dma_wait3A_621 = arith.constant 0 : i32
    %dma_wait3A_622 = tpu.memref_slice %arg4[%add3A_117, %dma_wait3A_621] : memref<32x16xf32, #tpu.memory_space<hbm>> -> memref<1x16xf32, #tpu.memory_space<hbm>>
    %dma_wait3A_623 = tpu.memref_squeeze %dma_wait3A_622 : memref<1x16xf32, #tpu.memory_space<hbm>> -> memref<16xf32, #tpu.memory_space<hbm>>
    %dma_wait3A_624 = arith.constant 0 : i32
    %dma_wait3A_625 = tpu.memref_slice %arg4[%add3A_117, %dma_wait3A_624] : memref<32x16xf32, #tpu.memory_space<hbm>> -> memref<1x16xf32, #tpu.memory_space<hbm>>
    %dma_wait3A_626 = tpu.memref_squeeze %dma_wait3A_625 : memref<1x16xf32, #tpu.memory_space<hbm>> -> memref<16xf32, #tpu.memory_space<hbm>>
    tpu.wait_dma2 semaphore(%arg26 : memref<!tpu.dma_semaphore, #tpu.memory_space<semaphore_mem>>) src(%arg21 : memref<16xf32, #tpu.memory_space<vmem>>) dst(%dma_wait3A_626 : memref<16xf32, #tpu.memory_space<hbm>>)
    %dma_wait3A_627 = arith.constant 0 : i32
    %dma_wait3A_628 = tpu.memref_slice %arg4[%add3A_361, %dma_wait3A_627] : memref<32x16xf32, #tpu.memory_space<hbm>> -> memref<1x16xf32, #tpu.memory_space<hbm>>
    %dma_wait3A_629 = tpu.memref_squeeze %dma_wait3A_628 : memref<1x16xf32, #tpu.memory_space<hbm>> -> memref<16xf32, #tpu.memory_space<hbm>>
    %dma_wait3A_630 = arith.constant 0 : i32
    %dma_wait3A_631 = tpu.memref_slice %arg4[%add3A_361, %dma_wait3A_630] : memref<32x16xf32, #tpu.memory_space<hbm>> -> memref<1x16xf32, #tpu.memory_space<hbm>>
    %dma_wait3A_632 = tpu.memref_squeeze %dma_wait3A_631 : memref<1x16xf32, #tpu.memory_space<hbm>> -> memref<16xf32, #tpu.memory_space<hbm>>
    tpu.wait_dma2 semaphore(%arg26 : memref<!tpu.dma_semaphore, #tpu.memory_space<semaphore_mem>>) src(%arg22 : memref<16xf32, #tpu.memory_space<vmem>>) dst(%dma_wait3A_632 : memref<16xf32, #tpu.memory_space<hbm>>)
    return
  }
}

</mosaic_0001>

<sc_bundles>
// kernel: kernel.3.cloned.1.call-start
scs
__scs_entry_jumppad:
0x0: {  	(pc) =	sbr.rel $0x88, $3  }
0x1: {  	(tag) =	ssettag $0x0;
	lr =	simm.s32 $0x1  }
0x2: {  	[smem:$0x3F9F] =	sst lr;
	_ =	strace $0xD0000000  }
0x3: {  	_ = 	snop  }
0x4: {  	_ = 	snop  }
0x5: {  	_ = 	snop  }
0x6: {  	_ = 	snop  }
0x7: {  	_ = 	snop  }
__scs_overlays_trampoline_lowered:
0x8: {  	[smem:$0x3FAE] =	sst s0  }
0x9: {  	[smem:$0x3FAF] =	sst s1  }
0xa: {  	[smem:$0x3FB0] =	sst s2  }
0xb: {  	[smem:$0x3FB1] =	sst s3  }
0xc: {  	[smem:$0x3FB2] =	sst s4  }
0xd: {  	[smem:$0x3FB3] =	sst s5  }
0xe: {  	[smem:$0x3FB4] =	sst s6  }
0xf: {  	[smem:$0x3FB5] =	sst s7  }
0x10: {  	[smem:$0x3FB6] =	sst s8  }
0x11: {  	[smem:$0x3FB7] =	sst s9;
	s0 =	simm.s32 @!p0 $0x0  }
0x12: {  	s1 =	sld [smem:$0x3F9D];
	s0 =	simm.s32 @p0 $0x1  }
0x13: {  	[smem:$0x3FB8] =	sst s0;
	s0 =	simm.s32 @!p1 $0x0  }
0x14: {  	s2 =	sld [smem:$0x3F9C];
	s0 =	simm.s32 @p1 $0x1  }
0x15: {  	[smem:$0x3FB9] =	sst s0;
	s0 =	simm.s32 @!p2 $0x0  }
0x16: {  	s3 =	sld [smem:$0x3FDB];
	s0 =	simm.s32 @p2 $0x1  }
0x17: {  	s4 =	simm.s32 $0x1BF5;
	[smem:$0x3FBB] =	sst s0  }
0x18: {  	s0 =	sld [smem:$0x3F9E];
	_ =	swait.ge [sflag:s4], $0x0  }
0x19: {  	s7 =	sld [smem:$0x3F9F]  }
0x1a: {  	s8 =	sadd.s32 $0xFFFFE003, lr  }
0x1b: {  	s9 =	sadd.s32 $0xFFFFFEF7, lr;
	s5 =	simm.s32 $0xFFFFFFFF;
	p2 =	slt.u32 s8, $0xFFFFF086  }
0x1c: {  	p1 =	slt.u32 s9, $0xF7A;
	s5 =	simm.s32 @!p2 $0x0  }
0x1d: {  	s5 =	simm.s32 @p1 $0x1;
	p0 =	seq.s32 s7, s2  }
0x1e: {  	s7 =	smul.u32 @!p0 $0xF7A, s2;
	p2 =	seq.s32 @!p0 s5, $0x0  }
0x1f: {  	s9 =	smul.u32 $0xF7A, s1;
	s8 =	simm.s32 @!p0 $0x1BF5;
	p2 =	por !p2, p0  }
0x20: {  	[sflag:s8] =	ssyncset.s32 @!p0 $0xFFFFF086;
	s6 =	sadd.s32 @!p0 s3, s7;
	s7 =	simm.s32 @!p0 $0x108  }
0x21: {  	s3 =	sadd.s32 s3, s9;
	s6 =	sadd.s32 @!p0 $0x88, s6;
	s7 =	simm.s32 @p2 $0x1082  }
0x22: {  	[simem:s7], [sflag:s8] =	dma.local @!p0 [hbm:s6], $0xF7A  }
0x23: {  	s9 =	sor.u32 $0xD0000000, s2;
	s6 =	simm.s32 $0x108;
	_ =	swait.ge @!p0 [sflag:s8], $0x0  }
0x24: {  	s3 =	sadd.s32 $0x88, s3;
	s6 =	simm.s32 @!p1 $0x1082;
	[sflag:s4] =	ssyncset.s32 $0xFFFFF086  }
0x25: {  	[simem:s6], [sflag:s4] =	dma.local [hbm:s3], $0xF7A  }
0x26: {  	[smem:$0x3F9F] =	sst s1;
	(tag) =	ssettag s2;
	_ =	strace s9  }
0x27: {  	s1 =	sld [smem:$0x3FAF]  }
0x28: {  	s2 =	sld [smem:$0x3FB0]  }
0x29: {  	s4 =	sld [smem:$0x3FB2]  }
0x2a: {  	p0 =	seq.s32 s5, $0x0;
	s5 =	sld [smem:$0x3FB3]  }
0x2b: {  	s6 =	sld [smem:$0x3FB4]  }
0x2c: {  	s7 =	sld [smem:$0x3FB5]  }
0x2d: {  	s3 =	simm.s32 $0x108;
	s8 =	sld [smem:$0x3FB6]  }
0x2e: {  	s3 =	simm.s32 @!p0 $0x1082;
	s9 =	sld [smem:$0x3FB7]  }
0x2f: {  	lr =	sadd.s32 s0, s3;
	s0 =	sld [smem:$0x3FAE]  }
0x30: {  	s3 =	sld [smem:$0x3FB1]  }
0x31: {  	[smem:$0x3FBA] =	sst s10  }
0x32: {  	s10 =	sld [smem:$0x3FB8];
	_ =	sdelay $0x3  }
0x33: {  	p0 =	seq.s32 s10, $0x1;
	s10 =	sld [smem:$0x3FBA];
	_ =	sdelay $0x3  }
0x34: {  	[smem:$0x3FBA] =	sst s10  }
0x35: {  	s10 =	sld [smem:$0x3FB9];
	_ =	sdelay $0x3  }
0x36: {  	p1 =	seq.s32 s10, $0x1;
	s10 =	sld [smem:$0x3FBA];
	_ =	sdelay $0x3  }
0x37: {  	[smem:$0x3FBA] =	sst s10  }
0x38: {  	s10 =	sld [smem:$0x3FBB]  }
0x39: {  	_ = 	snop;
	(pc) =	sbr.ind lr, $3  }
0x3a: {  	_ = 	snop  }
0x3b: {  	_ = 	snop  }
0x3c: {  	p2 =	seq.s32 s10, $0x1;
	s10 =	sld [smem:$0x3FBA]  }
0x3d: {  	_ =	shalt  }
0x3e: {  	_ =	shalt  }
0x3f: {  	_ =	shalt  }
0x40: {  	_ =	shalt  }
0x41: {  	_ =	shalt  }
0x42: {  	_ =	shalt  }
0x43: {  	_ =	shalt  }
0x44: {  	_ =	shalt  }
0x45: {  	_ =	shalt  }
0x46: {  	_ =	shalt  }
0x47: {  	_ =	shalt  }
0x48: {  	_ =	shalt  }
0x49: {  	_ =	shalt  }
0x4a: {  	_ =	shalt  }
0x4b: {  	_ =	shalt  }
0x4c: {  	_ =	shalt  }
0x4d: {  	_ =	shalt  }
0x4e: {  	_ =	shalt  }
0x4f: {  	_ =	shalt  }
0x50: {  	_ =	shalt  }
0x51: {  	_ =	shalt  }
0x52: {  	_ =	shalt  }
0x53: {  	_ =	shalt  }
0x54: {  	_ =	shalt  }
0x55: {  	_ =	shalt  }
0x56: {  	_ =	shalt  }
0x57: {  	_ =	shalt  }
0x58: {  	_ =	shalt  }
0x59: {  	_ =	shalt  }
0x5a: {  	_ =	shalt  }
0x5b: {  	_ =	shalt  }
0x5c: {  	_ =	shalt  }
0x5d: {  	_ =	shalt  }
0x5e: {  	_ =	shalt  }
0x5f: {  	_ =	shalt  }
0x60: {  	_ =	shalt  }
0x61: {  	_ =	shalt  }
0x62: {  	_ =	shalt  }
0x63: {  	_ =	shalt  }
0x64: {  	_ =	shalt  }
0x65: {  	_ =	shalt  }
0x66: {  	_ =	shalt  }
0x67: {  	_ =	shalt  }
0x68: {  	_ =	shalt  }
0x69: {  	_ =	shalt  }
0x6a: {  	_ =	shalt  }
0x6b: {  	_ =	shalt  }
0x6c: {  	_ =	shalt  }
0x6d: {  	_ =	shalt  }
0x6e: {  	_ =	shalt  }
0x6f: {  	_ =	shalt  }
0x70: {  	_ =	shalt  }
0x71: {  	_ =	shalt  }
0x72: {  	_ =	shalt  }
0x73: {  	_ =	shalt  }
0x74: {  	_ =	shalt  }
0x75: {  	_ =	shalt  }
0x76: {  	_ =	shalt  }
0x77: {  	_ =	shalt  }
0x78: {  	_ =	shalt  }
0x79: {  	_ =	shalt  }
0x7a: {  	_ =	shalt  }
0x7b: {  	_ =	shalt  }
0x7c: {  	_ =	shalt  }
0x7d: {  	_ =	shalt  }
0x7e: {  	_ =	shalt  }
0x7f: {  	_ =	shalt  }
0x80: {  	_ =	shalt  }
0x81: {  	_ =	shalt  }
0x82: {  	_ =	shalt  }
0x83: {  	_ =	shalt  }
0x84: {  	_ =	shalt  }
0x85: {  	_ =	shalt  }
0x86: {  	_ =	shalt  }
0x87: {  	_ =	shalt  }
.Lfunc_end0:
.L_simem_size_0:
called_computation_lowered:
.L_overlay_start_0:
0x88: {  	s0 =	sld [smem:$0x3FD9]  }
0x89: {  	s1 =	sld [smem:$0x3FFE];
	_ =	sdelay $0x3  }
0x8a: {  	s0 =	sadd.s32 s1, s0  }
0x8b: {  	[smem:$0x3FC6] =	sst s0  }
0x8c: {  	_ = 	snop  }
0x8d: {  	s0 =	sld [smem:$0x3FC9]  }
0x8e: {  	s16 =	sld [smem:$0x3FC8];
	(tm) =	ssettm $0x1  }
0x8f: {  	s2 =	sld [smem:$0x3FFB];
	_ =	sdelay $0x3  }
0x90: {  	_ =	strace s2  }
0x91: {  	s2 =	sld [smem:$0x3FFC];
	_ =	sdelay $0x3  }
0x92: {  	_ =	strace s2  }
0x93: {  	s2 =	sld [smem:$0x3FFD];
	_ =	sdelay $0x3  }
0x94: {  	_ =	strace s2  }
0x95: {  	_ =	strace $0x8FFFFFFF  }
0x96: {  	s17 =	sld [smem:$0x3FDB];
	_ =	sdelay $0x1  }
0x97: {  	s3 =	simm.s32 $_scs_section_size  }
0x98: {  	s4 =	simm.s32 $_size__tile_overlayer_lowered;
	s5 =	simm.s32 $_tile_overlayer_lowered  }
0x99: {  	s20 =	simm.s32 $0x1BFF;
	s19 =	sshll.u32 s5, $0x1;
	s2 =	sadd.s32 s3, s17  }
0x9a: {  	s6 =	simm.s32 $0x0;
	s18 =	sshll.u32 s4, $0x1;
	s4 =	sadd.s32 s19, s2  }
0x9b: {  	[timem:s6], [sflag:s20] =	dma.local [hbm:s4], s18  }
0x9c: {  	_ =	swait.ge [sflag:s20], s18  }
0x9d: {  	s3 =	ssub.s32 $0x0, s18;
	[sflag:s20] =	ssyncset.done $0x0  }
0x9e: {  	[sflag:s20] =	ssyncadd.s32 s3;
	_ =	sdelay $0x1  }
0x9f: {  	s21 =	simm.s32 $0x1B8B  }
0xa0: {  	_ =	swait.ge [sflag:s21], $0x1  }
0xa1: {  	[sflag:s21] =	ssyncset.done $0x0  }
0xa2: {  	s23 =	simm.s32 $0x1B8E;
	s22 =	sld [smem:$0x3FFE];
	[sflag:s21] =	ssyncadd.s32 $0xFFFFFFFF  }
0xa3: {  	s24 =	simm.s32 $execute0_lowered;
	[smem:$0x3FD2] =	sst s23  }
0xa4: {  	s4 =	sshll.u32 s24, $0x1;
	_ =	strace $0x80000046;
	[dreg:$0x1] =	wrdreg $0xFFFFFFFF  }
0xa5: {  	s25 =	simm.s32 $_size_execute0_lowered;
	s2 =	sadd.s32 s2, s4;
	[dreg:$0x0] =	wrdreg $0x0  }
0xa6: {  	s4 =	sshll.u32 s25, $0x1;
	[dreg:$0x2] =	wrdreg s2  }
0xa7: {  	[dreg:$0x3] =	wrdreg s4  }
0xa8: {  	[dreg:$0x4] =	wrdreg $0xC0  }
0xa9: {  	_ =	task [dreg:s6], $0x5FFFF  }
0xaa: {  	[dreg:$0x1] =	wrdreg $0xFFFFFFFF  }
0xab: {  	[dreg:$0x0] =	wrdreg $0x60  }
0xac: {  	[dreg:$0x2] =	wrdreg s0  }
0xad: {  	[dreg:$0x3] =	wrdreg s16  }
0xae: {  	[dreg:$0x4] =	wrdreg s22  }
0xaf: {  	[dreg:$0x5] =	wrdreg $0x9  }
0xb0: {  	_ =	task.clear_ibuf [dreg:s6], $0x6FFFF;
	_ =	strace $0x90000046  }
0xb1: {  	s26 =	simm.s32 $0x9;
	_ =	strace $0x80000048  }
0xb2: {  	_ =	swait.ge [sflag:s26], $0x1  }
0xb3: {  	[sflag:s26] =	ssyncadd.s32 $0xFFFFFFFF  }
0xb4: {  	_ =	strace $0x90000048  }
0xb5: {  	_ =	sfence  }
0xb6: {  	s28 =	sld [smem:$0x0];
	_ =	sdelay $0x1  }
0xb7: {  	s29 =	srdreg.scid  }
0xb8: {  	s30 =	sshll.u32 s29, $0xD;
	s31 =	sshrl.u32 s29, $0x2  }
0xb9: {  	s1 =	sand.u32 $0x1, s29;
	s2 =	sand.u32 $0x4000, s30;
	s0 =	sadd.s32 s31, s28  }
0xba: {  	s1 =	sor.u32 s2, s1;
	s0 =	sshll.u32 s0, $0x11  }
0xbb: {  	s0 =	sor.u32 s0, s1  }
0xbc: {  	s0 =	sadd.s32 $0x8F2B, s0  }
0xbd: {  	[sflag:s0] =	ssyncadd.remote.s32 $0x1  }
0xbe: {  	_ =	sfence.sel $0xFFFF  }
0xbf: {  	[dreg:$0x0] =	wrdreg $0xFFFFFFFF;
	(pc) =	sbr.abs _section_cstart, $3  }
0xc0: {  	[dreg:$0x1] =	wrdreg $0xFFFFFFFF  }
0xc1: {  	_ =	task.clear_ibuf [dreg:s6], $0x2FFFF;
	_ =	strace $0x9FFFFFFF  }
0xc2: {  	(tm) =	ssettm $0x7FFFFFFF  }
0xc3: {  	_ =	shalt  }
tec
execute0_lowered:
.L_overlay_start_1:
0x0: {  	(tag) =	ssettag $0x1  }
0x1: {  	s6 =	rddreg [dreg:$0x0]  }
0x2: {  	s5 =	rddreg [dreg:$0x1];
	s0 =	stileid.u32  }
0x3: {  	s3 =	rddreg [dreg:$0x2];
	s4 =	smul.u32 $0xC3800, s0  }
0x4: {  	s1 =	rddreg [dreg:$0x3];
	s2 =	simm.s32 $0x0  }
0x5: {  	[smem:$0x7FF] =	sst s2;
	s7 =	sadd.s32 $0x70, s6;
	s4 =	sshrl.u32 s4, $0x3  }
0x6: {  	_ =	strace $0x80000047;
	s8 =	sadd.s32 s4, s7;
	s9 =	sadd.s32 s6, s4  }
0x7: {  	[tilespmem:s2], [sflag:$0x1] =	stream.linear.gather [hbm4b:s8+s2], $0x10, $0x38;
	[tilespmem:$0x980] =	vst v63  }
0x8: {  	s17 =	simm.s32 $0x80;
	s4 =	sadd.s32 $0x170, s9  }
0x9: {  	[tilespmem:s17], [sflag:$0x1] =	stream.linear.gather [hbm4b:s4+s2], $0x10, $0x38;
	[tilespmem:$0x980] =	vst v63  }
0xa: {  	s19 =	simm.s32 $0x100;
	s18 =	sadd.s32 $0x470, s9  }
0xb: {  	[tilespmem:s19], [sflag:$0x1] =	stream.linear.gather [hbm4b:s18+s2], $0x10, $0x38;
	[tilespmem:$0x980] =	vst v63  }
0xc: {  	s21 =	simm.s32 $0x180;
	s20 =	sadd.s32 $0x1070, s9  }
0xd: {  	[tilespmem:s21], [sflag:$0x1] =	stream.linear.gather [hbm4b:s20+s2], $0x10, $0x38;
	[tilespmem:$0x980] =	vst v63  }
0xe: {  	s23 =	simm.s32 $0x200;
	s22 =	sadd.s32 $0x2770, s9  }
0xf: {  	[tilespmem:s23], [sflag:$0x1] =	stream.linear.gather [hbm4b:s22+s2], $0x10, $0x38;
	[tilespmem:$0x980] =	vst v63  }
0x10: {  	s10 =	simm.s32 $0x280;
	s24 =	sadd.s32 $0x4E74, s9;
	s4 =	sor.u32 $0x10, s0  }
0x11: {  	[tilespmem:s10], [sflag:$0x1] =	stream.linear.gather [hbm4b:s24+s2], $0x10, $0x38;
	[tilespmem:$0x980] =	vst v63  }
0x12: {  	s11 =	simm.s32 $0x300;
	s25 =	sadd.s32 $0xC37A, s9;
	s26 =	smul.u32 $0xC3800, s4  }
0x13: {  	[tilespmem:s11], [sflag:$0x1] =	stream.linear.gather [hbm4b:s25+s2], $0x10, $0x38;
	[tilespmem:$0x980] =	vst v63  }
0x14: {  	s30 =	simm.s32 $0x380;
	s28 =	sadd.s32 $0x186F2, s9;
	s29 =	sshrl.u32 s26, $0x3  }
0x15: {  	[tilespmem:s30], [sflag:$0x1] =	stream.linear.gather [hbm4b:s28+s2], $0x10, $0x38;
	[tilespmem:$0x980] =	vst v63  }
0x16: {  	s31 =	simm.s32 $0x400;
	s7 =	sadd.s32 s29, s7;
	s6 =	sadd.s32 s6, s29  }
0x17: {  	[tilespmem:s31], [sflag:$0x1] =	stream.linear.gather [hbm4b:s7+s2], $0x10, $0x38;
	[tilespmem:$0x980] =	vst v63  }
0x18: {  	s9 =	sadd.s32 $0x170, s6;
	s10 =	simm.s32 $0x480  }
0x19: {  	[tilespmem:s10], [sflag:$0x1] =	stream.linear.gather [hbm4b:s9+s2], $0x10, $0x38;
	[tilespmem:$0x980] =	vst v63  }
0x1a: {  	s12 =	simm.s32 $0x500;
	s11 =	sadd.s32 $0x470, s6  }
0x1b: {  	[tilespmem:s12], [sflag:$0x1] =	stream.linear.gather [hbm4b:s11+s2], $0x10, $0x38;
	[tilespmem:$0x980] =	vst v63  }
0x1c: {  	s14 =	simm.s32 $0x580;
	s13 =	sadd.s32 $0x1070, s6  }
0x1d: {  	[tilespmem:s14], [sflag:$0x1] =	stream.linear.gather [hbm4b:s13+s2], $0x10, $0x38;
	[tilespmem:$0x980] =	vst v63  }
0x1e: {  	s16 =	simm.s32 $0x600;
	s15 =	sadd.s32 $0x2770, s6  }
0x1f: {  	[tilespmem:s16], [sflag:$0x1] =	stream.linear.gather [hbm4b:s15+s2], $0x10, $0x38;
	[tilespmem:$0x980] =	vst v63  }
0x20: {  	s18 =	simm.s32 $0x680;
	s17 =	sadd.s32 $0x4E74, s6  }
0x21: {  	[tilespmem:s18], [sflag:$0x1] =	stream.linear.gather [hbm4b:s17+s2], $0x10, $0x38;
	[tilespmem:$0x980] =	vst v63  }
0x22: {  	s20 =	simm.s32 $0x700;
	s19 =	sadd.s32 $0xC37A, s6  }
0x23: {  	[tilespmem:s20], [sflag:$0x1] =	stream.linear.gather [hbm4b:s19+s2], $0x10, $0x38;
	[tilespmem:$0x980] =	vst v63  }
0x24: {  	s21 =	simm.s32 $0x780;
	s6 =	sadd.s32 $0x186F2, s6  }
0x25: {  	[tilespmem:s21], [sflag:$0x1] =	stream.linear.gather [hbm4b:s6+s2], $0x10, $0x38;
	[tilespmem:$0x980] =	vst v63  }
0x26: {  	s22 =	simm.s32 $0x900;
	s23 =	simm.s32 $0x2  }
0x27: {  	[tilespmem:s22], [sflag:$0x2] =	stream.linear.gather [hbm4b:s5+s2], $0x80, $0x38;
	[tilespmem:$0x980] =	vst v63  }
0x28: {  	_ =	swait.ge [sflag:s23], $0x80  }
0x29: {  	[sflag:s23] =	ssyncset.done $0x0  }
0x2a: {  	s24 =	simm.s32 $0x1;
	[sflag:s23] =	ssyncadd.s32 $0xFFFFFF80  }
0x2b: {  	_ =	swait.ge [sflag:s24], $0x10  }
0x2c: {  	[sflag:s24] =	ssyncset.done $0x0  }
0x2d: {  	[sflag:s24] =	ssyncadd.s32 $0xFFFFFFF0  }
0x2e: {  	_ =	swait.ge [sflag:s24], $0x10  }
0x2f: {  	[sflag:s24] =	ssyncset.done $0x0  }
0x30: {  	[sflag:s24] =	ssyncadd.s32 $0xFFFFFFF0  }
0x31: {  	_ =	swait.ge [sflag:s24], $0x10  }
0x32: {  	[sflag:s24] =	ssyncset.done $0x0  }
0x33: {  	[sflag:s24] =	ssyncadd.s32 $0xFFFFFFF0  }
0x34: {  	_ =	swait.ge [sflag:s24], $0x10  }
0x35: {  	[sflag:s24] =	ssyncset.done $0x0  }
0x36: {  	[sflag:s24] =	ssyncadd.s32 $0xFFFFFFF0  }
0x37: {  	_ =	swait.ge [sflag:s24], $0x10  }
0x38: {  	[sflag:s24] =	ssyncset.done $0x0  }
0x39: {  	[sflag:s24] =	ssyncadd.s32 $0xFFFFFFF0  }
0x3a: {  	_ =	swait.ge [sflag:s24], $0x10  }
0x3b: {  	[sflag:s24] =	ssyncset.done $0x0  }
0x3c: {  	[sflag:s24] =	ssyncadd.s32 $0xFFFFFFF0  }
0x3d: {  	_ =	swait.ge [sflag:s24], $0x10  }
0x3e: {  	[sflag:s24] =	ssyncset.done $0x0  }
0x3f: {  	[sflag:s24] =	ssyncadd.s32 $0xFFFFFFF0  }
0x40: {  	_ =	swait.ge [sflag:s24], $0x10  }
0x41: {  	[sflag:s24] =	ssyncset.done $0x0  }
0x42: {  	[sflag:s24] =	ssyncadd.s32 $0xFFFFFFF0  }
0x43: {  	v0 =	vld [tilespmem:$0x0]  }
0x44: {  	v1 =	vld [tilespmem:$0x80]  }
0x45: {  	v4 =	vld [tilespmem:$0x100]  }
0x46: {  	v5 =	vld [tilespmem:$0x180]  }
0x47: {  	v6 =	vld [tilespmem:$0x200]  }
0x48: {  	v2 =	vimm.s32 $0xB;
	v3 =	vimm.s32 $0x1;
	v7 =	vld [tilespmem:$0x280]  }
0x49: {  	v48 =	vimm.s32 $0x0;
	v10 =	vld [tilespmem:$0x300];
	v8 =	vperm.xlane v0, v2;
	v9 =	vperm.xlane v1, v3  }
0x4a: {  	v11 =	vld [tilespmem:$0x380];
	v4 =	vperm.xlane v4, v48  }
0x4b: {  	v49 =	vimm.s32 $0xF;
	v5 =	vperm.xlane v5, v48;
	v12 =	vmax.f32 v8, v9  }
0x4c: {  	v6 =	vperm.xlane v6, v49;
	v12 =	vmax.f32 v12, v4  }
0x4d: {  	v7 =	vperm.xlane v7, v48;
	v12 =	vmax.f32 v12, v5  }
0x4e: {  	v10 =	vperm.xlane v10, v48;
	v12 =	vmax.f32 v12, v6  }
0x4f: {  	v11 =	vperm.xlane v11, v49;
	v12 =	vmax.f32 v12, v7  }
0x50: {  	v12 =	vmax.f32 v12, v10  }
0x51: {  	v12 =	vmax.f32 v12, v11  }
0x52: {  	v13 =	vsub.f32 v8, v12  }
0x53: {  	v14 =	vsub.f32 v9, v12  }
0x54: {  	v13 =	vmul.f32 $1.442695020e+00, v13  }
0x55: {  	v15 =	vsub.f32 v4, v12;
	v14 =	vmul.f32 $1.442695020e+00, v14  }
0x56: {  	(erf) = vpow2.f32 v13  }
0x57: {  	v51 =	vsub.f32 v5, v12;
	v50 =	vmul.f32 $1.442695020e+00, v15;
	(erf) = vpow2.f32 v14;
	_ =	sdelay $0x1  }
0x58: {  	v53 =	vsub.f32 v6, v12;
	v52 =	vmul.f32 $1.442695020e+00, v51;
	(erf) = vpow2.f32 v50;
	_ =	sdelay $0x1  }
0x59: {  	v55 =	vsub.f32 v7, v12;
	v54 =	vmul.f32 $1.442695020e+00, v53;
	(erf) = vpow2.f32 v52;
	_ =	sdelay $0x1  }
0x5a: {  	v57 =	vsub.f32 v10, v12;
	v56 =	vmul.f32 $1.442695020e+00, v55;
	(erf) = vpow2.f32 v54;
	_ =	sdelay $0x1  }
0x5b: {  	v60 =	vsub.f32 v11, v12;
	v59 =	vmul.f32 $1.442695020e+00, v57;
	v58 =	vpop (erf);
	(erf) = vpow2.f32 v56  }
0x5c: {  	v16 =	vpop (erf)  }
0x5d: {  	v61 =	vmul.f32 $1.442695020e+00, v60;
	(erf) = vpow2.f32 v59;
	v15 =	vadd.f32 v16, v58  }
0x5e: {  	v62 =	vpop (erf)  }
0x5f: {  	(erf) = vpow2.f32 v61;
	v14 =	vadd.f32 v15, v62  }
0x60: {  	v63 =	vpop (erf)  }
0x61: {  	v13 =	vadd.f32 v14, v63  }
0x62: {  	v16 =	vpop (erf)  }
0x63: {  	v13 =	vadd.f32 v13, v16  }
0x64: {  	v17 =	vpop (erf)  }
0x65: {  	v13 =	vadd.f32 v13, v17  }
0x66: {  	v18 =	vpop (erf)  }
0x67: {  	v13 =	vadd.f32 v13, v18  }
0x68: {  	v19 =	vpop (erf)  }
0x69: {  	v13 =	vadd.f32 v13, v19;
	_ =	sdelay $0x1  }
0x6a: {  	v14 =	vand.u32 $0x7FFFFF, v13  }
0x6b: {  	v14 =	vor.u32 $0x3F800000, v14  }
0x6c: {  	v20 =	vadd.f32 $1.000000000e+00, v14;
	_ =	sdelay $0x1  }
0x6d: {  	(erf) = vrcp.f32 v20;
	_ =	sdelay $0x7  }
0x6e: {  	v14 =	vadd.f32 $-1.000000000e+00, v14  }
0x6f: {  	v15 =	vpop (erf)  }
0x70: {  	v14 =	vmul.f32 v15, v14;
	_ =	sdelay $0x1  }
0x71: {  	v15 =	vmul.f32 v14, v14;
	_ =	sdelay $0x1  }
0x72: {  	v21 =	vmul.f32 $1.111111120e-01, v15;
	_ =	sdelay $0x1  }
0x73: {  	v16 =	vadd.f32 $1.428571490e-01, v21;
	_ =	sdelay $0x1  }
0x74: {  	v17 =	vld [tilespmem:$0x900];
	v16 =	vmul.f32 v16, v15;
	_ =	sdelay $0x1  }
0x75: {  	v16 =	vadd.f32 $2.000000030e-01, v16;
	_ =	sdelay $0x1  }
0x76: {  	v18 =	vmov s0;
	v16 =	vmul.f32 v16, v15  }
0x77: {  	v17 =	vperm.xlane v17, v18  }
0x78: {  	v13 =	vshra.s32 v13, $0x17;
	v16 =	vadd.f32 $3.333333430e-01, v16  }
0x79: {  	v13 =	vadd.s32 $0xFFFFFF81, v13;
	vm0 =	veq.s32 v17, $0x1;
	vm15 =	veq.s32 v17, $0x2  }
0x7a: {  	v13 =	vcvt.s32.f32 v13;
	v8 =	vsel vm0, v9, v8;
	v15 =	vmul.f32 v16, v15  }
0x7b: {  	vm4 =	veq.s32 v17, $0x3;
	v4 =	vsel vm15, v4, v8  }
0x7c: {  	v22 =	vmul.f32 $6.931471820e-01, v13;
	v14 =	vadd.f32 v14, v14;
	v15 =	vadd.f32 $1.000000000e+00, v15  }
0x7d: {  	vm5 =	veq.s32 v17, $0x4;
	vm6 =	veq.s32 v17, $0x5;
	v4 =	vsel vm4, v5, v4  }
0x7e: {  	v4 =	vsel vm5, v6, v4;
	v24 =	vadd.f32 v22, v12;
	v23 =	vmul.f32 v15, v14  }
0x7f: {  	vm7 =	veq.s32 v17, $0x6;
	v4 =	vsel vm6, v7, v4  }
0x80: {  	vm8 =	veq.s32 v17, $0x7;
	v4 =	vsel vm7, v10, v4;
	v5 =	vadd.f32 v23, v24  }
0x81: {  	v4 =	vsel vm8, v11, v4  }
0x82: {  	v4 =	vsub.f32 v5, v4  }
0x83: {  	s25 =	sshll.u32 s0, $0x4  }
0x84: {  	s26 =	sadd.s32 s3, s25;
	s28 =	simm.s32 $0x800;
	[tilespmem:$0x800] =	vst v4  }
0x85: {  	[hbm4b:s26+s2] =	stream.linear.scatter [tilespmem:s28], [sflag:$0x3], $0x80, $0x38;
	[tilespmem:$0x980] =	vst v63  }
0x86: {  	_ =	swait.ge [sflag:s24], $0x10  }
0x87: {  	[sflag:s24] =	ssyncset.done $0x0  }
0x88: {  	[sflag:s24] =	ssyncadd.s32 $0xFFFFFFF0  }
0x89: {  	_ =	swait.ge [sflag:s24], $0x10  }
0x8a: {  	[sflag:s24] =	ssyncset.done $0x0  }
0x8b: {  	[sflag:s24] =	ssyncadd.s32 $0xFFFFFFF0  }
0x8c: {  	_ =	swait.ge [sflag:s24], $0x10  }
0x8d: {  	[sflag:s24] =	ssyncset.done $0x0  }
0x8e: {  	[sflag:s24] =	ssyncadd.s32 $0xFFFFFFF0  }
0x8f: {  	_ =	swait.ge [sflag:s24], $0x10  }
0x90: {  	[sflag:s24] =	ssyncset.done $0x0  }
0x91: {  	[sflag:s24] =	ssyncadd.s32 $0xFFFFFFF0  }
0x92: {  	_ =	swait.ge [sflag:s24], $0x10  }
0x93: {  	[sflag:s24] =	ssyncset.done $0x0  }
0x94: {  	[sflag:s24] =	ssyncadd.s32 $0xFFFFFFF0  }
0x95: {  	_ =	swait.ge [sflag:s24], $0x10  }
0x96: {  	[sflag:s24] =	ssyncset.done $0x0  }
0x97: {  	[sflag:s24] =	ssyncadd.s32 $0xFFFFFFF0  }
0x98: {  	_ =	swait.ge [sflag:s24], $0x10  }
0x99: {  	[sflag:s24] =	ssyncset.done $0x0  }
0x9a: {  	[sflag:s24] =	ssyncadd.s32 $0xFFFFFFF0  }
0x9b: {  	_ =	swait.ge [sflag:s24], $0x10  }
0x9c: {  	[sflag:s24] =	ssyncset.done $0x0  }
0x9d: {  	[sflag:s24] =	ssyncadd.s32 $0xFFFFFFF0  }
0x9e: {  	v25 =	vld [tilespmem:$0x400]  }
0x9f: {  	v26 =	vld [tilespmem:$0x480]  }
0xa0: {  	v27 =	vld [tilespmem:$0x500]  }
0xa1: {  	v28 =	vld [tilespmem:$0x580]  }
0xa2: {  	v29 =	vld [tilespmem:$0x600]  }
0xa3: {  	v30 =	vld [tilespmem:$0x680]  }
0xa4: {  	v31 =	vld [tilespmem:$0x700];
	v2 =	vperm.xlane v25, v2;
	v3 =	vperm.xlane v26, v3  }
0xa5: {  	v33 =	vld [tilespmem:$0x780];
	v32 =	vperm.xlane v27, v48  }
0xa6: {  	v7 =	vperm.xlane v28, v48;
	v34 =	vmax.f32 v2, v3  }
0xa7: {  	v8 =	vperm.xlane v29, v49;
	v10 =	vmax.f32 v34, v32  }
0xa8: {  	v9 =	vperm.xlane v30, v48;
	v10 =	vmax.f32 v10, v7  }
0xa9: {  	v0 =	vperm.xlane v31, v48;
	v35 =	vmax.f32 v10, v8  }
0xaa: {  	v1 =	vperm.xlane v33, v49;
	v4 =	vmax.f32 v35, v9  }
0xab: {  	v4 =	vmax.f32 v4, v0  }
0xac: {  	v4 =	vmax.f32 v4, v1  }
0xad: {  	v36 =	vsub.f32 v2, v4  }
0xae: {  	v37 =	vsub.f32 v3, v4  }
0xaf: {  	v6 =	vmul.f32 $1.442695020e+00, v36  }
0xb0: {  	v38 =	vsub.f32 v32, v4;
	v10 =	vmul.f32 $1.442695020e+00, v37  }
0xb1: {  	(erf) = vpow2.f32 v6  }
0xb2: {  	v40 =	vsub.f32 v7, v4;
	v39 =	vmul.f32 $1.442695020e+00, v38;
	(erf) = vpow2.f32 v10;
	_ =	sdelay $0x1  }
0xb3: {  	v42 =	vsub.f32 v8, v4;
	v41 =	vmul.f32 $1.442695020e+00, v40;
	(erf) = vpow2.f32 v39;
	_ =	sdelay $0x1  }
0xb4: {  	v44 =	vsub.f32 v9, v4;
	v43 =	vmul.f32 $1.442695020e+00, v42;
	(erf) = vpow2.f32 v41;
	_ =	sdelay $0x1  }
0xb5: {  	v46 =	vsub.f32 v0, v4;
	v45 =	vmul.f32 $1.442695020e+00, v44;
	(erf) = vpow2.f32 v43;
	_ =	sdelay $0x1  }
0xb6: {  	v49 =	vsub.f32 v1, v4;
	v48 =	vmul.f32 $1.442695020e+00, v46;
	v47 =	vpop (erf);
	(erf) = vpow2.f32 v45  }
0xb7: {  	v50 =	vpop (erf)  }
0xb8: {  	v51 =	vmul.f32 $1.442695020e+00, v49;
	(erf) = vpow2.f32 v48;
	v11 =	vadd.f32 v50, v47  }
0xb9: {  	v52 =	vpop (erf)  }
0xba: {  	(erf) = vpow2.f32 v51;
	v10 =	vadd.f32 v11, v52  }
0xbb: {  	v53 =	vpop (erf)  }
0xbc: {  	v6 =	vadd.f32 v10, v53  }
0xbd: {  	v54 =	vpop (erf)  }
0xbe: {  	v6 =	vadd.f32 v6, v54  }
0xbf: {  	v55 =	vpop (erf)  }
0xc0: {  	v6 =	vadd.f32 v6, v55  }
0xc1: {  	v56 =	vpop (erf)  }
0xc2: {  	v6 =	vadd.f32 v6, v56  }
0xc3: {  	v57 =	vpop (erf)  }
0xc4: {  	v6 =	vadd.f32 v6, v57;
	_ =	sdelay $0x1  }
0xc5: {  	v10 =	vand.u32 $0x7FFFFF, v6  }
0xc6: {  	v10 =	vor.u32 $0x3F800000, v10  }
0xc7: {  	v58 =	vadd.f32 $1.000000000e+00, v10;
	_ =	sdelay $0x1  }
0xc8: {  	(erf) = vrcp.f32 v58;
	_ =	sdelay $0x7  }
0xc9: {  	v10 =	vadd.f32 $-1.000000000e+00, v10  }
0xca: {  	v11 =	vpop (erf)  }
0xcb: {  	v10 =	vmul.f32 v11, v10;
	_ =	sdelay $0x1  }
0xcc: {  	v11 =	vmul.f32 v10, v10;
	_ =	sdelay $0x1  }
0xcd: {  	v59 =	vmul.f32 $1.111111120e-01, v11;
	_ =	sdelay $0x1  }
0xce: {  	v12 =	vadd.f32 $1.428571490e-01, v59;
	_ =	sdelay $0x1  }
0xcf: {  	v60 =	vld [tilespmem:$0x910];
	v12 =	vmul.f32 v12, v11;
	_ =	sdelay $0x1  }
0xd0: {  	v12 =	vadd.f32 $2.000000030e-01, v12;
	_ =	sdelay $0x1  }
0xd1: {  	v61 =	vmov s4;
	v12 =	vmul.f32 v12, v11  }
0xd2: {  	v13 =	vperm.xlane v60, v61  }
0xd3: {  	v6 =	vshra.s32 v6, $0x17;
	v12 =	vadd.f32 $3.333333430e-01, v12  }
0xd4: {  	vm9 =	veq.s32 v13, $0x1;
	vm10 =	veq.s32 v13, $0x2;
	v6 =	vadd.s32 $0xFFFFFF81, v6  }
0xd5: {  	v2 =	vsel vm9, v3, v2;
	v6 =	vcvt.s32.f32 v6;
	v11 =	vmul.f32 v12, v11  }
0xd6: {  	vm11 =	veq.s32 v13, $0x3;
	v2 =	vsel vm10, v32, v2  }
0xd7: {  	v62 =	vmul.f32 $6.931471820e-01, v6;
	v10 =	vadd.f32 v10, v10;
	v11 =	vadd.f32 $1.000000000e+00, v11  }
0xd8: {  	vm12 =	veq.s32 v13, $0x4;
	vm13 =	veq.s32 v13, $0x5;
	v2 =	vsel vm11, v7, v2  }
0xd9: {  	v2 =	vsel vm12, v8, v2;
	v3 =	vadd.f32 v62, v4;
	v63 =	vmul.f32 v11, v10  }
0xda: {  	vm14 =	veq.s32 v13, $0x6;
	v2 =	vsel vm13, v9, v2  }
0xdb: {  	vm15 =	veq.s32 v13, $0x7;
	v0 =	vsel vm14, v0, v2;
	v3 =	vadd.f32 v63, v3  }
0xdc: {  	v0 =	vsel vm15, v1, v0  }
0xdd: {  	s29 =	sand.u32 $0x70, s25;
	s4 =	sshll.u32 s4, $0x4;
	v0 =	vsub.f32 v3, v0  }
0xde: {  	s3 =	sadd.s32 s3, s29;
	s4 =	sand.u32 $0x180, s4  }
0xdf: {  	s30 =	simm.s32 $0x880;
	s31 =	simm.s32 $0x3;
	s3 =	sadd.s32 s4, s3;
	[tilespmem:$0x880] =	vst v0  }
0xe0: {  	[hbm4b:s3+s2] =	stream.linear.scatter [tilespmem:s30], [sflag:$0x3], $0x80, $0x38;
	[tilespmem:$0x980] =	vst v63  }
0xe1: {  	_ =	swait.ge [sflag:s31], $0x80  }
0xe2: {  	[sflag:s31] =	ssyncset.done $0x0  }
0xe3: {  	[sflag:s31] =	ssyncadd.s32 $0xFFFFFF80  }
0xe4: {  	_ =	swait.ge [sflag:s31], $0x80  }
0xe5: {  	[sflag:s31] =	ssyncset.done $0x0  }
0xe6: {  	[sflag:s31] =	ssyncadd.s32 $0xFFFFFF80  }
0xe7: {  	_ =	sfence.sel $0x180000  }
0xe8: {  	[bflag:$0x0] =	sbarrier.arrive $0xFFFF  }
0xe9: {  	p0 =	sne.s32 s0, $0x0;
	_ =	strace $0x90000047  }
0xea: {  	s0 =	sadd.s32 @!p0 $0x100000, s1;
	[bflag:$0x2] =	sbarrier.arrive $0xFFFF  }
0xeb: {  	[sflag:s0] =	ssyncadd.tile.s32 @!p0 $0x1;
	_ =	shalt  }
.Lfunc_end2:
_tile_overlayer_lowered:
.L_overlay_start_2:
0xec: {  	(tag) =	ssettag $0x2  }
0xed: {  	s0 =	rddreg [dreg:$0x0];
	s2 =	stileid.u32  }
0xee: {  	s1 =	rddreg [dreg:$0x1];
	p0 =	sne.s32 s2, $0x0  }
0xef: {  	s3 =	rddreg [dreg:$0x2];
	[bflag:$0x3] =	sbarrier.arrive $0xFFFF;
	s2 =	simm.s32 @!p0 $0x1C04  }
0xf0: {  	[timem:s3], [sflag:s2] =	dma.local @!p0 [hbm:s0], s1  }
0xf1: {  	s0 =	simm.s32 @!p0 $0x4  }
0xf2: {  	_ =	swait.ge @!p0 [sflag:s0], s1  }
0xf3: {  	s1 =	ssub.s32 @!p0 $0x0, s1;
	[sflag:s0] =	ssyncset.done @!p0 $0x0  }
0xf4: {  	[sflag:s0] =	ssyncadd.s32 @!p0 s1  }
0xf5: {  	[bflag:$0x3] =	sbarrier.arrive $0xFFFF  }
0xf6: {  	_ =	shalt  }

</sc_bundles>
